<compile_context>
chip_gen: v7x
topology: tpu7x:2x2x1
jax: 0.10.2.dev20260603
libtpu: 0.0.44.dev20260713+nightly
codegen_flags: <defaults>
</compile_context>

<pallas_src>
import functools

import jax
import jax.numpy as jnp
from jax import lax
from jax.experimental import pallas as pl
from jax.experimental.pallas import tpu as pltpu
from jax.experimental.pallas import tpu_sc as plsc

_NC = 2
_NS = 16
_CH = 80


def _sc_segment_sums(x, src, dst):
    n, d = x.shape
    e = src.shape[0]
    nw = _NC * _NS
    ew = e // nw
    nch = ew // _CH
    cps = -(-n // (_NS * _CH))
    npad = cps * _NS * _CH
    rps = cps * _CH
    assert ew * nw == e and nch * _CH == ew
    assert ew % 8 == 0 and _CH % 8 == 0 and d % 128 == 0

    mesh = plsc.VectorSubcoreMesh(core_axis_name="c", subcore_axis_name="s")

    @functools.partial(
        pl.kernel,
        mesh=mesh,
        out_type=[
            jax.ShapeDtypeStruct((_NC, npad, d), jnp.float32),
            jax.ShapeDtypeStruct((_NC, npad, d), jnp.float32),
        ],
        scratch_types=[
            pltpu.VMEM((_CH,), jnp.int32),
            pltpu.VMEM((_CH,), jnp.int32),
            pltpu.VMEM((_CH, d), jnp.float32),
            pltpu.VMEM((_CH, d), jnp.float32),
            pltpu.VMEM_SHARED((npad, d), jnp.float32),
            pltpu.SemaphoreType.DMA,
        ],
    )
    def sc_kernel(x_hbm, src_hbm, dst_hbm, agg_out, deg_out,
                  si_v, di_v, rows_v, ones_v, agg_sh, sem):
        cid = lax.axis_index("c")
        sid = lax.axis_index("s")
        wid = sid * _NC + cid

        def _fill(i, carry):
            for j in range(d // 16):
                rows_v[i, pl.ds(j * 16, 16)] = jnp.zeros((16,), jnp.float32)
                ones_v[i, pl.ds(j * 16, 16)] = jnp.ones((16,), jnp.float32)
            return carry
        lax.fori_loop(0, _CH, _fill, 0)

        r0 = sid * rps

        for t in range(cps):
            pltpu.sync_copy(rows_v, agg_sh.at[pl.ds(r0 + t * _CH, _CH)])
        plsc.subcore_barrier()

        def _chunk1(i, carry):
            e0 = (i * nw + wid) * _CH
            pltpu.sync_copy(src_hbm.at[pl.ds(e0, _CH)], si_v)
            pltpu.sync_copy(dst_hbm.at[pl.ds(e0, _CH)], di_v)
            pltpu.async_copy(x_hbm.at[si_v], rows_v, sem).wait()
            pltpu.sync_copy(rows_v, agg_sh.at[di_v], add=True)
            return carry
        lax.fori_loop(0, nch, _chunk1, 0)

        plsc.subcore_barrier()
        pltpu.sync_copy(agg_sh.at[pl.ds(r0, rps)],
                        agg_out.at[cid, pl.ds(r0, rps)])
        plsc.subcore_barrier()

        def _refill(i, carry):
            for j in range(d // 16):
                rows_v[i, pl.ds(j * 16, 16)] = jnp.zeros((16,), jnp.float32)
            return carry
        lax.fori_loop(0, _CH, _refill, 0)

        for t in range(cps):
            pltpu.sync_copy(rows_v, agg_sh.at[pl.ds(r0 + t * _CH, _CH)])
        plsc.subcore_barrier()

        def _chunk2(i, carry):
            e0 = (i * nw + wid) * _CH
            pltpu.sync_copy(dst_hbm.at[pl.ds(e0, _CH)], di_v)
            pltpu.sync_copy(ones_v, agg_sh.at[di_v], add=True)
            return carry
        lax.fori_loop(0, nch, _chunk2, 0)

        plsc.subcore_barrier()
        pltpu.sync_copy(agg_sh.at[pl.ds(r0, rps)],
                        deg_out.at[cid, pl.ds(r0, rps)])

    return sc_kernel(x, src, dst)


def _tc_assemble(x, agg_parts, deg_parts, qft, crow, blk):
    n, d = x.shape
    npad = agg_parts.shape[1]
    grid = (n // blk,)

    def body(x_ref, a_ref, dg_ref, dgf_ref, qft_ref, c_ref, o_ref):
        inv_m = 1.0 / (jnp.max(dgf_ref[0] + dgf_ref[1]) + 1.0)
        deg = dg_ref[0, :, 0:1] + dg_ref[1, :, 0:1]
        agg = a_ref[0] + a_ref[1]
        h = (x_ref[...] + agg) / (deg + 1.0)
        hn = jnp.sum(h * h, axis=1, keepdims=True)
        z = jnp.dot(h, qft_ref[...], preferred_element_type=jnp.float32)
        c0 = c_ref[0:1, :]
        a_t = c_ref[1:2, :]
        b_t = c_ref[2:3, :]
        alpha = c_ref[3:4, 0:1]
        feat = hn - 2.0 * z + c0
        dn = deg * inv_m
        struct = a_t - 2.0 * dn * b_t + dn * dn
        dist = (1.0 - alpha) * feat + alpha * struct + 1e-8
        o_ref[...] = jnp.log(jnp.maximum(dist, 1e-8))

    return pl.pallas_call(
        body,
        grid=grid,
        in_specs=[
            pl.BlockSpec((blk, d), lambda i: (i, 0)),
            pl.BlockSpec((_NC, blk, d), lambda i: (0, i, 0)),
            pl.BlockSpec((_NC, blk, d), lambda i: (0, i, 0)),
            pl.BlockSpec((_NC, npad, d), lambda i: (0, 0, 0)),
            pl.BlockSpec((d, 128), lambda i: (0, 0)),
            pl.BlockSpec((8, 128), lambda i: (0, 0)),
        ],
        out_specs=pl.BlockSpec((blk, 128), lambda i: (i, 0)),
        out_shape=jax.ShapeDtypeStruct((n, 128), jnp.float32),
    )(x, agg_parts, deg_parts, deg_parts, qft, crow)


def kernel(x, edge_index, templates, templates_features, q0, alpha0):
    n, d = x.shape
    t_n, j_n = q0.shape

    alpha = jax.nn.sigmoid(alpha0)[0]
    q = jax.nn.softmax(q0, axis=1)
    fn = jnp.sum(templates_features ** 2, axis=2)
    c0 = jnp.sum(q * fn, axis=1)
    qf = jnp.einsum('tj,tjd->td', q, templates_features)
    a_t = jnp.einsum('tj,tl,tjl->t', q, q, templates ** 2)
    b_t = jnp.einsum('tj,tl,tjl->t', q, q, templates)

    src = edge_index[0]
    dst = edge_index[1]
    agg_parts, deg_parts = _sc_segment_sums(x, src, dst)

    qft = jnp.zeros((d, 128), jnp.float32).at[:, :t_n].set(qf.T)
    crow = (jnp.zeros((8, 128), jnp.float32)
            .at[0, :t_n].set(c0)
            .at[1, :t_n].set(a_t)
            .at[2, :t_n].set(b_t)
            .at[3, 0].set(alpha))

    out_pad = _tc_assemble(x, agg_parts, deg_parts, qft, crow, blk=1000)
    return out_pad[:, :t_n]

# --- scband reference (transcript-rebuilt; emitter-appended) ---
"""Pipeline reference for scband-ltfgw-log-90082644066817 (READ-ONLY COPY).

The authoritative reference and input builder live on the scoring server;
editing this copy changes nothing except your own understanding.
"""

import jax, jax.numpy as jnp
import numpy as np

N = 10000
E = 320000
D = 128
T = 10
J = 10
K = 1


def setup_inputs(seed: int = 0) -> dict:
    key = jax.random.key(seed)
    k1, k2, k3, k4 = jax.random.split(key, 4)
    x = jax.random.normal(k1, (N, D), dtype=jnp.float32)
    edge_index = jax.random.randint(k2, (2, E), 0, N, dtype=jnp.int32)
    tmp = jax.random.uniform(k3, (T, J, J), dtype=jnp.float32)
    templates = 0.5 * (tmp + jnp.transpose(tmp, (0, 2, 1)))
    templates_features = 0.0 + 0.001 * jax.random.normal(k4, (T, J, D), dtype=jnp.float32)
    q0 = jnp.zeros((T, J), dtype=jnp.float32)
    alpha0 = jnp.zeros((1,), dtype=jnp.float32)
    return {
        'x': x,
        'edge_index': edge_index,
        'templates': templates,
        'templates_features': templates_features,
        'q0': q0,
        'alpha0': alpha0,
    }


def _distance_to_template(x, edge_index, templates_features, templates, alpha, q, k):
    # Vectorized local FGW surrogate: k hops of normalized neighborhood
    # aggregation followed by a (1-alpha) feature-Wasserstein term (uniform
    # transport against template node weights q) plus an alpha structure term
    # comparing normalized node degree to the template adjacency under q x q.
    src = edge_index[0]
    dst = edge_index[1]
    deg = jax.ops.segment_sum(jnp.ones_like(src, dtype=jnp.float32), dst, num_segments=N)
    h = x
    for _ in range(k):
        agg = jax.ops.segment_sum(h[src], dst, num_segments=N)
        h = (h + agg) / (deg[:, None] + 1.0)
    # feature cost: M[i,t] = sum_j q[t,j] * ||h_i - F[t,j]||^2
    hn = jnp.sum(h * h, axis=1)                      # [N]
    Fn = jnp.sum(templates_features ** 2, axis=2)    # [T, J]
    cross = jnp.einsum('nd,tjd->ntj', h, templates_features)  # [N, T, J]
    per = hn[:, None, None] - 2.0 * cross + Fn[None, :, :]
    feat_cost = jnp.einsum('ntj,tj->nt', per, q)     # [N, T]
    # structure cost: sum_{j,l} q[t,j] q[t,l] (C[t,j,l] - dnorm_i)^2
    dnorm = deg / (jnp.max(deg) + 1.0)               # [N]
    A = jnp.einsum('tj,tl,tjl->t', q, q, templates ** 2)  # [T]
    B = jnp.einsum('tj,tl,tjl->t', q, q, templates)       # [T]
    struct_cost = A[None, :] - 2.0 * dnorm[:, None] * B[None, :] + dnorm[:, None] ** 2
    dist = (1.0 - alpha) * feat_cost + alpha * struct_cost + 1e-8
    return dist


def reference(x, edge_index, templates, templates_features, q0, alpha0):
    alpha = jax.nn.sigmoid(alpha0)[0]
    q = jax.nn.softmax(q0, axis=1)
    dist = _distance_to_template(x, edge_index, templates_features, templates, alpha, q, K)
    return jnp.log(jnp.maximum(dist, 1e-8))

if __name__ == "__main__":
    import jax
    _d = setup_inputs()
    print(jax.jit(kernel)(*tuple(_d.values())))

</pallas_src>

<mosaic_0001>
#map = affine_map<(d0, d1) -> (0, 0)>
#map1 = affine_map<(d0, d1) -> (0)>
#map2 = affine_map<(d0, d1) -> (0, 0, 0)>
module attributes {stable_mosaic.version = 14 : i64} {
  func.func @sc_kernel(%arg0: i32, %arg1: i32, %arg2: memref<10000x128xf32, #tpu.memory_space<hbm>>, %arg3: memref<320000xi32, #tpu.memory_space<hbm>>, %arg4: memref<320000xi32, #tpu.memory_space<hbm>>, %arg5: memref<2x10240x128xf32, #tpu.memory_space<hbm>>, %arg6: memref<2x10240x128xf32, #tpu.memory_space<hbm>>, %arg7: memref<80xi32, #tpu.memory_space<vmem>>, %arg8: memref<80xi32, #tpu.memory_space<vmem>>, %arg9: memref<80x128xf32, #tpu.memory_space<vmem>>, %arg10: memref<80x128xf32, #tpu.memory_space<vmem>>, %arg11: memref<10240x128xf32, #tpu.memory_space<vmem_shared>>, %arg12: memref<!tpu.dma_semaphore, #tpu.memory_space<semaphore_mem>>) attributes {dimension_semantics = [#tpu.dimension_semantics<core_parallel>, #tpu.dimension_semantics<subcore_parallel>], iteration_bounds = array<i64: 2, 16>, scalar_prefetch = 0 : i64, scratch_operands = 6 : i64, tpu.core_type = #tpu.core_type<sc_vector_subcore>, window_params = [{transform_indices = #map}, {transform_indices = #map1}, {transform_indices = #map1}, {transform_indices = #map2}, {transform_indices = #map2}]} {
    %mul3A = arith.constant 2 : i32
    %mul3A_0 = arith.muli %arg1, %mul3A : i32
    %add3A = arith.addi %mul3A_0, %arg0 : i32
    %scan3A = arith.constant 0 : i32
    %scan3A_1 = arith.constant 0 : i32
    %scan3A_2 = arith.constant 80 : i32
    %scan3A_3 = arith.addi %scan3A_1, %scan3A_2 : i32
    %scan3A_4 = arith.constant 1 : i32
    scf.for %scan3A_62 = %scan3A_1 to %scan3A_3 step %scan3A_4  : i32 {
      %broadcast_in_dim3A = arith.constant 0.000000e+00 : f32
      %broadcast_in_dim3A_63 = vector.broadcast %broadcast_in_dim3A : f32 to vector<16xf32>
      %swap3A = arith.index_cast %scan3A_62 : i32 to index
      %swap3A_64 = arith.constant 0 : index
      %swap3A_65 = tpu.vector_load %arg9[%swap3A, %swap3A_64] {strides = array<i32>} : memref<80x128xf32, #tpu.memory_space<vmem>>, vector<1x16xf32>,
      %swap3A_66 = vector.shape_cast %swap3A_65 : vector<1x16xf32> to vector<16xf32>
      %swap3A_67 = vector.shape_cast %broadcast_in_dim3A_63 : vector<16xf32> to vector<1x16xf32>
      tpu.vector_store %arg9[%swap3A, %swap3A_64], %swap3A_67 {strides = array<i32>} : memref<80x128xf32, #tpu.memory_space<vmem>>, vector<1x16xf32>,
      %broadcast_in_dim3A_68 = arith.constant 1.000000e+00 : f32
      %broadcast_in_dim3A_69 = vector.broadcast %broadcast_in_dim3A_68 : f32 to vector<16xf32>
      %swap3A_70 = arith.index_cast %scan3A_62 : i32 to index
      %swap3A_71 = arith.constant 0 : index
      %swap3A_72 = tpu.vector_load %arg10[%swap3A_70, %swap3A_71] {strides = array<i32>} : memref<80x128xf32, #tpu.memory_space<vmem>>, vector<1x16xf32>,
      %swap3A_73 = vector.shape_cast %swap3A_72 : vector<1x16xf32> to vector<16xf32>
      %swap3A_74 = vector.shape_cast %broadcast_in_dim3A_69 : vector<16xf32> to vector<1x16xf32>
      tpu.vector_store %arg10[%swap3A_70, %swap3A_71], %swap3A_74 {strides = array<i32>} : memref<80x128xf32, #tpu.memory_space<vmem>>, vector<1x16xf32>,
      %broadcast_in_dim3A_75 = arith.constant 0.000000e+00 : f32
      %broadcast_in_dim3A_76 = vector.broadcast %broadcast_in_dim3A_75 : f32 to vector<16xf32>
      %swap3A_77 = arith.index_cast %scan3A_62 : i32 to index
      %swap3A_78 = arith.constant 16 : index
      %swap3A_79 = tpu.vector_load %arg9[%swap3A_77, %swap3A_78] {strides = array<i32>} : memref<80x128xf32, #tpu.memory_space<vmem>>, vector<1x16xf32>,
      %swap3A_80 = vector.shape_cast %swap3A_79 : vector<1x16xf32> to vector<16xf32>
      %swap3A_81 = vector.shape_cast %broadcast_in_dim3A_76 : vector<16xf32> to vector<1x16xf32>
      tpu.vector_store %arg9[%swap3A_77, %swap3A_78], %swap3A_81 {strides = array<i32>} : memref<80x128xf32, #tpu.memory_space<vmem>>, vector<1x16xf32>,
      %broadcast_in_dim3A_82 = arith.constant 1.000000e+00 : f32
      %broadcast_in_dim3A_83 = vector.broadcast %broadcast_in_dim3A_82 : f32 to vector<16xf32>
      %swap3A_84 = arith.index_cast %scan3A_62 : i32 to index
      %swap3A_85 = arith.constant 16 : index
      %swap3A_86 = tpu.vector_load %arg10[%swap3A_84, %swap3A_85] {strides = array<i32>} : memref<80x128xf32, #tpu.memory_space<vmem>>, vector<1x16xf32>,
      %swap3A_87 = vector.shape_cast %swap3A_86 : vector<1x16xf32> to vector<16xf32>
      %swap3A_88 = vector.shape_cast %broadcast_in_dim3A_83 : vector<16xf32> to vector<1x16xf32>
      tpu.vector_store %arg10[%swap3A_84, %swap3A_85], %swap3A_88 {strides = array<i32>} : memref<80x128xf32, #tpu.memory_space<vmem>>, vector<1x16xf32>,
      %broadcast_in_dim3A_89 = arith.constant 0.000000e+00 : f32
      %broadcast_in_dim3A_90 = vector.broadcast %broadcast_in_dim3A_89 : f32 to vector<16xf32>
      %swap3A_91 = arith.index_cast %scan3A_62 : i32 to index
      %swap3A_92 = arith.constant 32 : index
      %swap3A_93 = tpu.vector_load %arg9[%swap3A_91, %swap3A_92] {strides = array<i32>} : memref<80x128xf32, #tpu.memory_space<vmem>>, vector<1x16xf32>,
      %swap3A_94 = vector.shape_cast %swap3A_93 : vector<1x16xf32> to vector<16xf32>
      %swap3A_95 = vector.shape_cast %broadcast_in_dim3A_90 : vector<16xf32> to vector<1x16xf32>
      tpu.vector_store %arg9[%swap3A_91, %swap3A_92], %swap3A_95 {strides = array<i32>} : memref<80x128xf32, #tpu.memory_space<vmem>>, vector<1x16xf32>,
      %broadcast_in_dim3A_96 = arith.constant 1.000000e+00 : f32
      %broadcast_in_dim3A_97 = vector.broadcast %broadcast_in_dim3A_96 : f32 to vector<16xf32>
      %swap3A_98 = arith.index_cast %scan3A_62 : i32 to index
      %swap3A_99 = arith.constant 32 : index
      %swap3A_100 = tpu.vector_load %arg10[%swap3A_98, %swap3A_99] {strides = array<i32>} : memref<80x128xf32, #tpu.memory_space<vmem>>, vector<1x16xf32>,
      %swap3A_101 = vector.shape_cast %swap3A_100 : vector<1x16xf32> to vector<16xf32>
      %swap3A_102 = vector.shape_cast %broadcast_in_dim3A_97 : vector<16xf32> to vector<1x16xf32>
      tpu.vector_store %arg10[%swap3A_98, %swap3A_99], %swap3A_102 {strides = array<i32>} : memref<80x128xf32, #tpu.memory_space<vmem>>, vector<1x16xf32>,
      %broadcast_in_dim3A_103 = arith.constant 0.000000e+00 : f32
      %broadcast_in_dim3A_104 = vector.broadcast %broadcast_in_dim3A_103 : f32 to vector<16xf32>
      %swap3A_105 = arith.index_cast %scan3A_62 : i32 to index
      %swap3A_106 = arith.constant 48 : index
      %swap3A_107 = tpu.vector_load %arg9[%swap3A_105, %swap3A_106] {strides = array<i32>} : memref<80x128xf32, #tpu.memory_space<vmem>>, vector<1x16xf32>,
      %swap3A_108 = vector.shape_cast %swap3A_107 : vector<1x16xf32> to vector<16xf32>
      %swap3A_109 = vector.shape_cast %broadcast_in_dim3A_104 : vector<16xf32> to vector<1x16xf32>
      tpu.vector_store %arg9[%swap3A_105, %swap3A_106], %swap3A_109 {strides = array<i32>} : memref<80x128xf32, #tpu.memory_space<vmem>>, vector<1x16xf32>,
      %broadcast_in_dim3A_110 = arith.constant 1.000000e+00 : f32
      %broadcast_in_dim3A_111 = vector.broadcast %broadcast_in_dim3A_110 : f32 to vector<16xf32>
      %swap3A_112 = arith.index_cast %scan3A_62 : i32 to index
      %swap3A_113 = arith.constant 48 : index
      %swap3A_114 = tpu.vector_load %arg10[%swap3A_112, %swap3A_113] {strides = array<i32>} : memref<80x128xf32, #tpu.memory_space<vmem>>, vector<1x16xf32>,
      %swap3A_115 = vector.shape_cast %swap3A_114 : vector<1x16xf32> to vector<16xf32>
      %swap3A_116 = vector.shape_cast %broadcast_in_dim3A_111 : vector<16xf32> to vector<1x16xf32>
      tpu.vector_store %arg10[%swap3A_112, %swap3A_113], %swap3A_116 {strides = array<i32>} : memref<80x128xf32, #tpu.memory_space<vmem>>, vector<1x16xf32>,
      %broadcast_in_dim3A_117 = arith.constant 0.000000e+00 : f32
      %broadcast_in_dim3A_118 = vector.broadcast %broadcast_in_dim3A_117 : f32 to vector<16xf32>
      %swap3A_119 = arith.index_cast %scan3A_62 : i32 to index
      %swap3A_120 = arith.constant 64 : index
      %swap3A_121 = tpu.vector_load %arg9[%swap3A_119, %swap3A_120] {strides = array<i32>} : memref<80x128xf32, #tpu.memory_space<vmem>>, vector<1x16xf32>,
      %swap3A_122 = vector.shape_cast %swap3A_121 : vector<1x16xf32> to vector<16xf32>
      %swap3A_123 = vector.shape_cast %broadcast_in_dim3A_118 : vector<16xf32> to vector<1x16xf32>
      tpu.vector_store %arg9[%swap3A_119, %swap3A_120], %swap3A_123 {strides = array<i32>} : memref<80x128xf32, #tpu.memory_space<vmem>>, vector<1x16xf32>,
      %broadcast_in_dim3A_124 = arith.constant 1.000000e+00 : f32
      %broadcast_in_dim3A_125 = vector.broadcast %broadcast_in_dim3A_124 : f32 to vector<16xf32>
      %swap3A_126 = arith.index_cast %scan3A_62 : i32 to index
      %swap3A_127 = arith.constant 64 : index
      %swap3A_128 = tpu.vector_load %arg10[%swap3A_126, %swap3A_127] {strides = array<i32>} : memref<80x128xf32, #tpu.memory_space<vmem>>, vector<1x16xf32>,
      %swap3A_129 = vector.shape_cast %swap3A_128 : vector<1x16xf32> to vector<16xf32>
      %swap3A_130 = vector.shape_cast %broadcast_in_dim3A_125 : vector<16xf32> to vector<1x16xf32>
      tpu.vector_store %arg10[%swap3A_126, %swap3A_127], %swap3A_130 {strides = array<i32>} : memref<80x128xf32, #tpu.memory_space<vmem>>, vector<1x16xf32>,
      %broadcast_in_dim3A_131 = arith.constant 0.000000e+00 : f32
      %broadcast_in_dim3A_132 = vector.broadcast %broadcast_in_dim3A_131 : f32 to vector<16xf32>
      %swap3A_133 = arith.index_cast %scan3A_62 : i32 to index
      %swap3A_134 = arith.constant 80 : index
      %swap3A_135 = tpu.vector_load %arg9[%swap3A_133, %swap3A_134] {strides = array<i32>} : memref<80x128xf32, #tpu.memory_space<vmem>>, vector<1x16xf32>,
      %swap3A_136 = vector.shape_cast %swap3A_135 : vector<1x16xf32> to vector<16xf32>
      %swap3A_137 = vector.shape_cast %broadcast_in_dim3A_132 : vector<16xf32> to vector<1x16xf32>
      tpu.vector_store %arg9[%swap3A_133, %swap3A_134], %swap3A_137 {strides = array<i32>} : memref<80x128xf32, #tpu.memory_space<vmem>>, vector<1x16xf32>,
      %broadcast_in_dim3A_138 = arith.constant 1.000000e+00 : f32
      %broadcast_in_dim3A_139 = vector.broadcast %broadcast_in_dim3A_138 : f32 to vector<16xf32>
      %swap3A_140 = arith.index_cast %scan3A_62 : i32 to index
      %swap3A_141 = arith.constant 80 : index
      %swap3A_142 = tpu.vector_load %arg10[%swap3A_140, %swap3A_141] {strides = array<i32>} : memref<80x128xf32, #tpu.memory_space<vmem>>, vector<1x16xf32>,
      %swap3A_143 = vector.shape_cast %swap3A_142 : vector<1x16xf32> to vector<16xf32>
      %swap3A_144 = vector.shape_cast %broadcast_in_dim3A_139 : vector<16xf32> to vector<1x16xf32>
      tpu.vector_store %arg10[%swap3A_140, %swap3A_141], %swap3A_144 {strides = array<i32>} : memref<80x128xf32, #tpu.memory_space<vmem>>, vector<1x16xf32>,
      %broadcast_in_dim3A_145 = arith.constant 0.000000e+00 : f32
      %broadcast_in_dim3A_146 = vector.broadcast %broadcast_in_dim3A_145 : f32 to vector<16xf32>
      %swap3A_147 = arith.index_cast %scan3A_62 : i32 to index
      %swap3A_148 = arith.constant 96 : index
      %swap3A_149 = tpu.vector_load %arg9[%swap3A_147, %swap3A_148] {strides = array<i32>} : memref<80x128xf32, #tpu.memory_space<vmem>>, vector<1x16xf32>,
      %swap3A_150 = vector.shape_cast %swap3A_149 : vector<1x16xf32> to vector<16xf32>
      %swap3A_151 = vector.shape_cast %broadcast_in_dim3A_146 : vector<16xf32> to vector<1x16xf32>
      tpu.vector_store %arg9[%swap3A_147, %swap3A_148], %swap3A_151 {strides = array<i32>} : memref<80x128xf32, #tpu.memory_space<vmem>>, vector<1x16xf32>,
      %broadcast_in_dim3A_152 = arith.constant 1.000000e+00 : f32
      %broadcast_in_dim3A_153 = vector.broadcast %broadcast_in_dim3A_152 : f32 to vector<16xf32>
      %swap3A_154 = arith.index_cast %scan3A_62 : i32 to index
      %swap3A_155 = arith.constant 96 : index
      %swap3A_156 = tpu.vector_load %arg10[%swap3A_154, %swap3A_155] {strides = array<i32>} : memref<80x128xf32, #tpu.memory_space<vmem>>, vector<1x16xf32>,
      %swap3A_157 = vector.shape_cast %swap3A_156 : vector<1x16xf32> to vector<16xf32>
      %swap3A_158 = vector.shape_cast %broadcast_in_dim3A_153 : vector<16xf32> to vector<1x16xf32>
      tpu.vector_store %arg10[%swap3A_154, %swap3A_155], %swap3A_158 {strides = array<i32>} : memref<80x128xf32, #tpu.memory_space<vmem>>, vector<1x16xf32>,
      %broadcast_in_dim3A_159 = arith.constant 0.000000e+00 : f32
      %broadcast_in_dim3A_160 = vector.broadcast %broadcast_in_dim3A_159 : f32 to vector<16xf32>
      %swap3A_161 = arith.index_cast %scan3A_62 : i32 to index
      %swap3A_162 = arith.constant 112 : index
      %swap3A_163 = tpu.vector_load %arg9[%swap3A_161, %swap3A_162] {strides = array<i32>} : memref<80x128xf32, #tpu.memory_space<vmem>>, vector<1x16xf32>,
      %swap3A_164 = vector.shape_cast %swap3A_163 : vector<1x16xf32> to vector<16xf32>
      %swap3A_165 = vector.shape_cast %broadcast_in_dim3A_160 : vector<16xf32> to vector<1x16xf32>
      tpu.vector_store %arg9[%swap3A_161, %swap3A_162], %swap3A_165 {strides = array<i32>} : memref<80x128xf32, #tpu.memory_space<vmem>>, vector<1x16xf32>,
      %broadcast_in_dim3A_166 = arith.constant 1.000000e+00 : f32
      %broadcast_in_dim3A_167 = vector.broadcast %broadcast_in_dim3A_166 : f32 to vector<16xf32>
      %swap3A_168 = arith.index_cast %scan3A_62 : i32 to index
      %swap3A_169 = arith.constant 112 : index
      %swap3A_170 = tpu.vector_load %arg10[%swap3A_168, %swap3A_169] {strides = array<i32>} : memref<80x128xf32, #tpu.memory_space<vmem>>, vector<1x16xf32>,
      %swap3A_171 = vector.shape_cast %swap3A_170 : vector<1x16xf32> to vector<16xf32>
      %swap3A_172 = vector.shape_cast %broadcast_in_dim3A_167 : vector<16xf32> to vector<1x16xf32>
      tpu.vector_store %arg10[%swap3A_168, %swap3A_169], %swap3A_172 {strides = array<i32>} : memref<80x128xf32, #tpu.memory_space<vmem>>, vector<1x16xf32>,
    }
    %scan3A_5 = arith.constant 80 : i32
    %mul3A_6 = arith.constant 640 : i32
    %mul3A_7 = arith.muli %arg1, %mul3A_6 : i32
    %add3A_8 = arith.constant 0 : i32
    %add3A_9 = arith.addi %mul3A_7, %add3A_8 : i32
    "tpu.region"() ({
      %run_scoped3A = tpu.sem_alloc : memref<!tpu.dma_semaphore, #tpu.memory_space<semaphore_mem>>
      %dma_start3A = arith.constant 0 : i32
      %dma_start3A_62 = tpu.memref_slice %arg11[%add3A_9, %dma_start3A] : memref<10240x128xf32, #tpu.memory_space<vmem_shared>> -> memref<80x128xf32, #tpu.memory_space<vmem_shared>>
      %dma_start3A_63 = arith.constant 0 : i32
      %dma_start3A_64 = tpu.memref_slice %arg11[%add3A_9, %dma_start3A_63] : memref<10240x128xf32, #tpu.memory_space<vmem_shared>> -> memref<80x128xf32, #tpu.memory_space<vmem_shared>>
      tpu.enqueue_dma source(%arg9 : memref<80x128xf32, #tpu.memory_space<vmem>>) target(%dma_start3A_64 : memref<80x128xf32, #tpu.memory_space<vmem_shared>>) target_semaphore(%run_scoped3A : memref<!tpu.dma_semaphore, #tpu.memory_space<semaphore_mem>>)
      %dma_wait3A = arith.constant 0 : i32
      %dma_wait3A_65 = tpu.memref_slice %arg11[%add3A_9, %dma_wait3A] : memref<10240x128xf32, #tpu.memory_space<vmem_shared>> -> memref<80x128xf32, #tpu.memory_space<vmem_shared>>
      %dma_wait3A_66 = arith.constant 0 : i32
      %dma_wait3A_67 = tpu.memref_slice %arg11[%add3A_9, %dma_wait3A_66] : memref<10240x128xf32, #tpu.memory_space<vmem_shared>> -> memref<80x128xf32, #tpu.memory_space<vmem_shared>>
      tpu.wait_dma2 semaphore(%run_scoped3A : memref<!tpu.dma_semaphore, #tpu.memory_space<semaphore_mem>>) src(%arg9 : memref<80x128xf32, #tpu.memory_space<vmem>>) dst(%dma_wait3A_67 : memref<80x128xf32, #tpu.memory_space<vmem_shared>>)
      tpu.yield
    }) : () -> ()
    %add3A_10 = arith.constant 80 : i32
    %add3A_11 = arith.addi %mul3A_7, %add3A_10 : i32
    "tpu.region"() ({
      %run_scoped3A = tpu.sem_alloc : memref<!tpu.dma_semaphore, #tpu.memory_space<semaphore_mem>>
      %dma_start3A = arith.constant 0 : i32
      %dma_start3A_62 = tpu.memref_slice %arg11[%add3A_11, %dma_start3A] : memref<10240x128xf32, #tpu.memory_space<vmem_shared>> -> memref<80x128xf32, #tpu.memory_space<vmem_shared>>
      %dma_start3A_63 = arith.constant 0 : i32
      %dma_start3A_64 = tpu.memref_slice %arg11[%add3A_11, %dma_start3A_63] : memref<10240x128xf32, #tpu.memory_space<vmem_shared>> -> memref<80x128xf32, #tpu.memory_space<vmem_shared>>
      tpu.enqueue_dma source(%arg9 : memref<80x128xf32, #tpu.memory_space<vmem>>) target(%dma_start3A_64 : memref<80x128xf32, #tpu.memory_space<vmem_shared>>) target_semaphore(%run_scoped3A : memref<!tpu.dma_semaphore, #tpu.memory_space<semaphore_mem>>)
      %dma_wait3A = arith.constant 0 : i32
      %dma_wait3A_65 = tpu.memref_slice %arg11[%add3A_11, %dma_wait3A] : memref<10240x128xf32, #tpu.memory_space<vmem_shared>> -> memref<80x128xf32, #tpu.memory_space<vmem_shared>>
      %dma_wait3A_66 = arith.constant 0 : i32
      %dma_wait3A_67 = tpu.memref_slice %arg11[%add3A_11, %dma_wait3A_66] : memref<10240x128xf32, #tpu.memory_space<vmem_shared>> -> memref<80x128xf32, #tpu.memory_space<vmem_shared>>
      tpu.wait_dma2 semaphore(%run_scoped3A : memref<!tpu.dma_semaphore, #tpu.memory_space<semaphore_mem>>) src(%arg9 : memref<80x128xf32, #tpu.memory_space<vmem>>) dst(%dma_wait3A_67 : memref<80x128xf32, #tpu.memory_space<vmem_shared>>)
      tpu.yield
    }) : () -> ()
    %add3A_12 = arith.constant 160 : i32
    %add3A_13 = arith.addi %mul3A_7, %add3A_12 : i32
    "tpu.region"() ({
      %run_scoped3A = tpu.sem_alloc : memref<!tpu.dma_semaphore, #tpu.memory_space<semaphore_mem>>
      %dma_start3A = arith.constant 0 : i32
      %dma_start3A_62 = tpu.memref_slice %arg11[%add3A_13, %dma_start3A] : memref<10240x128xf32, #tpu.memory_space<vmem_shared>> -> memref<80x128xf32, #tpu.memory_space<vmem_shared>>
      %dma_start3A_63 = arith.constant 0 : i32
      %dma_start3A_64 = tpu.memref_slice %arg11[%add3A_13, %dma_start3A_63] : memref<10240x128xf32, #tpu.memory_space<vmem_shared>> -> memref<80x128xf32, #tpu.memory_space<vmem_shared>>
      tpu.enqueue_dma source(%arg9 : memref<80x128xf32, #tpu.memory_space<vmem>>) target(%dma_start3A_64 : memref<80x128xf32, #tpu.memory_space<vmem_shared>>) target_semaphore(%run_scoped3A : memref<!tpu.dma_semaphore, #tpu.memory_space<semaphore_mem>>)
      %dma_wait3A = arith.constant 0 : i32
      %dma_wait3A_65 = tpu.memref_slice %arg11[%add3A_13, %dma_wait3A] : memref<10240x128xf32, #tpu.memory_space<vmem_shared>> -> memref<80x128xf32, #tpu.memory_space<vmem_shared>>
      %dma_wait3A_66 = arith.constant 0 : i32
      %dma_wait3A_67 = tpu.memref_slice %arg11[%add3A_13, %dma_wait3A_66] : memref<10240x128xf32, #tpu.memory_space<vmem_shared>> -> memref<80x128xf32, #tpu.memory_space<vmem_shared>>
      tpu.wait_dma2 semaphore(%run_scoped3A : memref<!tpu.dma_semaphore, #tpu.memory_space<semaphore_mem>>) src(%arg9 : memref<80x128xf32, #tpu.memory_space<vmem>>) dst(%dma_wait3A_67 : memref<80x128xf32, #tpu.memory_space<vmem_shared>>)
      tpu.yield
    }) : () -> ()
    %add3A_14 = arith.constant 240 : i32
    %add3A_15 = arith.addi %mul3A_7, %add3A_14 : i32
    "tpu.region"() ({
      %run_scoped3A = tpu.sem_alloc : memref<!tpu.dma_semaphore, #tpu.memory_space<semaphore_mem>>
      %dma_start3A = arith.constant 0 : i32
      %dma_start3A_62 = tpu.memref_slice %arg11[%add3A_15, %dma_start3A] : memref<10240x128xf32, #tpu.memory_space<vmem_shared>> -> memref<80x128xf32, #tpu.memory_space<vmem_shared>>
      %dma_start3A_63 = arith.constant 0 : i32
      %dma_start3A_64 = tpu.memref_slice %arg11[%add3A_15, %dma_start3A_63] : memref<10240x128xf32, #tpu.memory_space<vmem_shared>> -> memref<80x128xf32, #tpu.memory_space<vmem_shared>>
      tpu.enqueue_dma source(%arg9 : memref<80x128xf32, #tpu.memory_space<vmem>>) target(%dma_start3A_64 : memref<80x128xf32, #tpu.memory_space<vmem_shared>>) target_semaphore(%run_scoped3A : memref<!tpu.dma_semaphore, #tpu.memory_space<semaphore_mem>>)
      %dma_wait3A = arith.constant 0 : i32
      %dma_wait3A_65 = tpu.memref_slice %arg11[%add3A_15, %dma_wait3A] : memref<10240x128xf32, #tpu.memory_space<vmem_shared>> -> memref<80x128xf32, #tpu.memory_space<vmem_shared>>
      %dma_wait3A_66 = arith.constant 0 : i32
      %dma_wait3A_67 = tpu.memref_slice %arg11[%add3A_15, %dma_wait3A_66] : memref<10240x128xf32, #tpu.memory_space<vmem_shared>> -> memref<80x128xf32, #tpu.memory_space<vmem_shared>>
      tpu.wait_dma2 semaphore(%run_scoped3A : memref<!tpu.dma_semaphore, #tpu.memory_space<semaphore_mem>>) src(%arg9 : memref<80x128xf32, #tpu.memory_space<vmem>>) dst(%dma_wait3A_67 : memref<80x128xf32, #tpu.memory_space<vmem_shared>>)
      tpu.yield
    }) : () -> ()
    %add3A_16 = arith.constant 320 : i32
    %add3A_17 = arith.addi %mul3A_7, %add3A_16 : i32
    "tpu.region"() ({
      %run_scoped3A = tpu.sem_alloc : memref<!tpu.dma_semaphore, #tpu.memory_space<semaphore_mem>>
      %dma_start3A = arith.constant 0 : i32
      %dma_start3A_62 = tpu.memref_slice %arg11[%add3A_17, %dma_start3A] : memref<10240x128xf32, #tpu.memory_space<vmem_shared>> -> memref<80x128xf32, #tpu.memory_space<vmem_shared>>
      %dma_start3A_63 = arith.constant 0 : i32
      %dma_start3A_64 = tpu.memref_slice %arg11[%add3A_17, %dma_start3A_63] : memref<10240x128xf32, #tpu.memory_space<vmem_shared>> -> memref<80x128xf32, #tpu.memory_space<vmem_shared>>
      tpu.enqueue_dma source(%arg9 : memref<80x128xf32, #tpu.memory_space<vmem>>) target(%dma_start3A_64 : memref<80x128xf32, #tpu.memory_space<vmem_shared>>) target_semaphore(%run_scoped3A : memref<!tpu.dma_semaphore, #tpu.memory_space<semaphore_mem>>)
      %dma_wait3A = arith.constant 0 : i32
      %dma_wait3A_65 = tpu.memref_slice %arg11[%add3A_17, %dma_wait3A] : memref<10240x128xf32, #tpu.memory_space<vmem_shared>> -> memref<80x128xf32, #tpu.memory_space<vmem_shared>>
      %dma_wait3A_66 = arith.constant 0 : i32
      %dma_wait3A_67 = tpu.memref_slice %arg11[%add3A_17, %dma_wait3A_66] : memref<10240x128xf32, #tpu.memory_space<vmem_shared>> -> memref<80x128xf32, #tpu.memory_space<vmem_shared>>
      tpu.wait_dma2 semaphore(%run_scoped3A : memref<!tpu.dma_semaphore, #tpu.memory_space<semaphore_mem>>) src(%arg9 : memref<80x128xf32, #tpu.memory_space<vmem>>) dst(%dma_wait3A_67 : memref<80x128xf32, #tpu.memory_space<vmem_shared>>)
      tpu.yield
    }) : () -> ()
    %add3A_18 = arith.constant 400 : i32
    %add3A_19 = arith.addi %mul3A_7, %add3A_18 : i32
    "tpu.region"() ({
      %run_scoped3A = tpu.sem_alloc : memref<!tpu.dma_semaphore, #tpu.memory_space<semaphore_mem>>
      %dma_start3A = arith.constant 0 : i32
      %dma_start3A_62 = tpu.memref_slice %arg11[%add3A_19, %dma_start3A] : memref<10240x128xf32, #tpu.memory_space<vmem_shared>> -> memref<80x128xf32, #tpu.memory_space<vmem_shared>>
      %dma_start3A_63 = arith.constant 0 : i32
      %dma_start3A_64 = tpu.memref_slice %arg11[%add3A_19, %dma_start3A_63] : memref<10240x128xf32, #tpu.memory_space<vmem_shared>> -> memref<80x128xf32, #tpu.memory_space<vmem_shared>>
      tpu.enqueue_dma source(%arg9 : memref<80x128xf32, #tpu.memory_space<vmem>>) target(%dma_start3A_64 : memref<80x128xf32, #tpu.memory_space<vmem_shared>>) target_semaphore(%run_scoped3A : memref<!tpu.dma_semaphore, #tpu.memory_space<semaphore_mem>>)
      %dma_wait3A = arith.constant 0 : i32
      %dma_wait3A_65 = tpu.memref_slice %arg11[%add3A_19, %dma_wait3A] : memref<10240x128xf32, #tpu.memory_space<vmem_shared>> -> memref<80x128xf32, #tpu.memory_space<vmem_shared>>
      %dma_wait3A_66 = arith.constant 0 : i32
      %dma_wait3A_67 = tpu.memref_slice %arg11[%add3A_19, %dma_wait3A_66] : memref<10240x128xf32, #tpu.memory_space<vmem_shared>> -> memref<80x128xf32, #tpu.memory_space<vmem_shared>>
      tpu.wait_dma2 semaphore(%run_scoped3A : memref<!tpu.dma_semaphore, #tpu.memory_space<semaphore_mem>>) src(%arg9 : memref<80x128xf32, #tpu.memory_space<vmem>>) dst(%dma_wait3A_67 : memref<80x128xf32, #tpu.memory_space<vmem_shared>>)
      tpu.yield
    }) : () -> ()
    %add3A_20 = arith.constant 480 : i32
    %add3A_21 = arith.addi %mul3A_7, %add3A_20 : i32
    "tpu.region"() ({
      %run_scoped3A = tpu.sem_alloc : memref<!tpu.dma_semaphore, #tpu.memory_space<semaphore_mem>>
      %dma_start3A = arith.constant 0 : i32
      %dma_start3A_62 = tpu.memref_slice %arg11[%add3A_21, %dma_start3A] : memref<10240x128xf32, #tpu.memory_space<vmem_shared>> -> memref<80x128xf32, #tpu.memory_space<vmem_shared>>
      %dma_start3A_63 = arith.constant 0 : i32
      %dma_start3A_64 = tpu.memref_slice %arg11[%add3A_21, %dma_start3A_63] : memref<10240x128xf32, #tpu.memory_space<vmem_shared>> -> memref<80x128xf32, #tpu.memory_space<vmem_shared>>
      tpu.enqueue_dma source(%arg9 : memref<80x128xf32, #tpu.memory_space<vmem>>) target(%dma_start3A_64 : memref<80x128xf32, #tpu.memory_space<vmem_shared>>) target_semaphore(%run_scoped3A : memref<!tpu.dma_semaphore, #tpu.memory_space<semaphore_mem>>)
      %dma_wait3A = arith.constant 0 : i32
      %dma_wait3A_65 = tpu.memref_slice %arg11[%add3A_21, %dma_wait3A] : memref<10240x128xf32, #tpu.memory_space<vmem_shared>> -> memref<80x128xf32, #tpu.memory_space<vmem_shared>>
      %dma_wait3A_66 = arith.constant 0 : i32
      %dma_wait3A_67 = tpu.memref_slice %arg11[%add3A_21, %dma_wait3A_66] : memref<10240x128xf32, #tpu.memory_space<vmem_shared>> -> memref<80x128xf32, #tpu.memory_space<vmem_shared>>
      tpu.wait_dma2 semaphore(%run_scoped3A : memref<!tpu.dma_semaphore, #tpu.memory_space<semaphore_mem>>) src(%arg9 : memref<80x128xf32, #tpu.memory_space<vmem>>) dst(%dma_wait3A_67 : memref<80x128xf32, #tpu.memory_space<vmem_shared>>)
      tpu.yield
    }) : () -> ()
    %add3A_22 = arith.constant 560 : i32
    %add3A_23 = arith.addi %mul3A_7, %add3A_22 : i32
    "tpu.region"() ({
      %run_scoped3A = tpu.sem_alloc : memref<!tpu.dma_semaphore, #tpu.memory_space<semaphore_mem>>
      %dma_start3A = arith.constant 0 : i32
      %dma_start3A_62 = tpu.memref_slice %arg11[%add3A_23, %dma_start3A] : memref<10240x128xf32, #tpu.memory_space<vmem_shared>> -> memref<80x128xf32, #tpu.memory_space<vmem_shared>>
      %dma_start3A_63 = arith.constant 0 : i32
      %dma_start3A_64 = tpu.memref_slice %arg11[%add3A_23, %dma_start3A_63] : memref<10240x128xf32, #tpu.memory_space<vmem_shared>> -> memref<80x128xf32, #tpu.memory_space<vmem_shared>>
      tpu.enqueue_dma source(%arg9 : memref<80x128xf32, #tpu.memory_space<vmem>>) target(%dma_start3A_64 : memref<80x128xf32, #tpu.memory_space<vmem_shared>>) target_semaphore(%run_scoped3A : memref<!tpu.dma_semaphore, #tpu.memory_space<semaphore_mem>>)
      %dma_wait3A = arith.constant 0 : i32
      %dma_wait3A_65 = tpu.memref_slice %arg11[%add3A_23, %dma_wait3A] : memref<10240x128xf32, #tpu.memory_space<vmem_shared>> -> memref<80x128xf32, #tpu.memory_space<vmem_shared>>
      %dma_wait3A_66 = arith.constant 0 : i32
      %dma_wait3A_67 = tpu.memref_slice %arg11[%add3A_23, %dma_wait3A_66] : memref<10240x128xf32, #tpu.memory_space<vmem_shared>> -> memref<80x128xf32, #tpu.memory_space<vmem_shared>>
      tpu.wait_dma2 semaphore(%run_scoped3A : memref<!tpu.dma_semaphore, #tpu.memory_space<semaphore_mem>>) src(%arg9 : memref<80x128xf32, #tpu.memory_space<vmem>>) dst(%dma_wait3A_67 : memref<80x128xf32, #tpu.memory_space<vmem_shared>>)
      tpu.yield
    }) : () -> ()
    %barrier3A = arith.constant 0 : index
    tpu.barrier barrier_id(%barrier3A)
    %scan3A_24 = arith.constant 0 : i32
    %scan3A_25 = arith.constant 0 : i32
    %scan3A_26 = arith.constant 125 : i32
    %scan3A_27 = arith.addi %scan3A_25, %scan3A_26 : i32
    %scan3A_28 = arith.constant 1 : i32
    scf.for %scan3A_62 = %scan3A_25 to %scan3A_27 step %scan3A_28  : i32 {
      %mul3A_63 = arith.constant 32 : i32
      %mul3A_64 = arith.muli %scan3A_62, %mul3A_63 : i32
      %add3A_65 = arith.addi %mul3A_64, %add3A : i32
      %mul3A_66 = arith.constant 80 : i32
      %mul3A_67 = arith.muli %add3A_65, %mul3A_66 : i32
      "tpu.region"() ({
        %run_scoped3A = tpu.sem_alloc : memref<!tpu.dma_semaphore, #tpu.memory_space<semaphore_mem>>
        %dma_start3A_72 = tpu.memref_slice %arg3[%mul3A_67] : memref<320000xi32, #tpu.memory_space<hbm>> -> memref<80xi32, #tpu.memory_space<hbm>>
        %dma_start3A_73 = tpu.memref_slice %arg3[%mul3A_67] : memref<320000xi32, #tpu.memory_space<hbm>> -> memref<80xi32, #tpu.memory_space<hbm>>
        tpu.enqueue_dma source(%dma_start3A_73 : memref<80xi32, #tpu.memory_space<hbm>>) target(%arg7 : memref<80xi32, #tpu.memory_space<vmem>>) target_semaphore(%run_scoped3A : memref<!tpu.dma_semaphore, #tpu.memory_space<semaphore_mem>>)
        %dma_wait3A_74 = tpu.memref_slice %arg3[%mul3A_67] : memref<320000xi32, #tpu.memory_space<hbm>> -> memref<80xi32, #tpu.memory_space<hbm>>
        %dma_wait3A_75 = tpu.memref_slice %arg3[%mul3A_67] : memref<320000xi32, #tpu.memory_space<hbm>> -> memref<80xi32, #tpu.memory_space<hbm>>
        tpu.wait_dma2 semaphore(%run_scoped3A : memref<!tpu.dma_semaphore, #tpu.memory_space<semaphore_mem>>) src(%dma_wait3A_75 : memref<80xi32, #tpu.memory_space<hbm>>) dst(%arg7 : memref<80xi32, #tpu.memory_space<vmem>>)
        tpu.yield
      }) : () -> ()
      "tpu.region"() ({
        %run_scoped3A = tpu.sem_alloc : memref<!tpu.dma_semaphore, #tpu.memory_space<semaphore_mem>>
        %dma_start3A_72 = tpu.memref_slice %arg4[%mul3A_67] : memref<320000xi32, #tpu.memory_space<hbm>> -> memref<80xi32, #tpu.memory_space<hbm>>
        %dma_start3A_73 = tpu.memref_slice %arg4[%mul3A_67] : memref<320000xi32, #tpu.memory_space<hbm>> -> memref<80xi32, #tpu.memory_space<hbm>>
        tpu.enqueue_dma source(%dma_start3A_73 : memref<80xi32, #tpu.memory_space<hbm>>) target(%arg8 : memref<80xi32, #tpu.memory_space<vmem>>) target_semaphore(%run_scoped3A : memref<!tpu.dma_semaphore, #tpu.memory_space<semaphore_mem>>)
        %dma_wait3A_74 = tpu.memref_slice %arg4[%mul3A_67] : memref<320000xi32, #tpu.memory_space<hbm>> -> memref<80xi32, #tpu.memory_space<hbm>>
        %dma_wait3A_75 = tpu.memref_slice %arg4[%mul3A_67] : memref<320000xi32, #tpu.memory_space<hbm>> -> memref<80xi32, #tpu.memory_space<hbm>>
        tpu.wait_dma2 semaphore(%run_scoped3A : memref<!tpu.dma_semaphore, #tpu.memory_space<semaphore_mem>>) src(%dma_wait3A_75 : memref<80xi32, #tpu.memory_space<hbm>>) dst(%arg8 : memref<80xi32, #tpu.memory_space<vmem>>)
        tpu.yield
      }) : () -> ()
      %dma_start3A = arith.constant 0 : i32
      %dma_start3A_68 = arith.constant 0 : i32
      %dma_start3A_69 = tpu.memref_slice %arg2[%dma_start3A, %dma_start3A_68] : memref<10000x128xf32, #tpu.memory_space<hbm>> -> memref<10000x128xf32, #tpu.memory_space<hbm>>
      tpu.enqueue_indirect_dma source(%dma_start3A_69 : memref<10000x128xf32, #tpu.memory_space<hbm>>) target(%arg9 : memref<80x128xf32, #tpu.memory_space<vmem>>) offsets(%arg7 : memref<80xi32, #tpu.memory_space<vmem>>) semaphore(%arg12 : memref<!tpu.dma_semaphore, #tpu.memory_space<semaphore_mem>>)
      %dma_wait3A = arith.constant 0 : i32
      %dma_wait3A_70 = arith.constant 0 : i32
      %dma_wait3A_71 = tpu.memref_slice %arg2[%dma_wait3A, %dma_wait3A_70] : memref<10000x128xf32, #tpu.memory_space<hbm>> -> memref<10000x128xf32, #tpu.memory_space<hbm>>
      tpu.wait_indirect_dma semaphore(%arg12 : memref<!tpu.dma_semaphore, #tpu.memory_space<semaphore_mem>>) src(%dma_wait3A_71 : memref<10000x128xf32, #tpu.memory_space<hbm>>) dst(%arg9 : memref<80x128xf32, #tpu.memory_space<vmem>>)
      "tpu.region"() ({
        %run_scoped3A = tpu.sem_alloc : memref<!tpu.dma_semaphore, #tpu.memory_space<semaphore_mem>>
        %dma_start3A_72 = arith.constant 0 : i32
        %dma_start3A_73 = arith.constant 0 : i32
        %dma_start3A_74 = tpu.memref_slice %arg11[%dma_start3A_72, %dma_start3A_73] : memref<10240x128xf32, #tpu.memory_space<vmem_shared>> -> memref<10240x128xf32, #tpu.memory_space<vmem_shared>>
        tpu.enqueue_indirect_dma source(%arg9 : memref<80x128xf32, #tpu.memory_space<vmem>>) target(%dma_start3A_74 : memref<10240x128xf32, #tpu.memory_space<vmem_shared>>) offsets(%arg8 : memref<80xi32, #tpu.memory_space<vmem>>) semaphore(%run_scoped3A : memref<!tpu.dma_semaphore, #tpu.memory_space<semaphore_mem>>) {add = true}
        %dma_wait3A_75 = arith.constant 0 : i32
        %dma_wait3A_76 = arith.constant 0 : i32
        %dma_wait3A_77 = tpu.memref_slice %arg11[%dma_wait3A_75, %dma_wait3A_76] : memref<10240x128xf32, #tpu.memory_space<vmem_shared>> -> memref<10240x128xf32, #tpu.memory_space<vmem_shared>>
        tpu.wait_indirect_dma semaphore(%run_scoped3A : memref<!tpu.dma_semaphore, #tpu.memory_space<semaphore_mem>>) src(%arg9 : memref<80x128xf32, #tpu.memory_space<vmem>>) dst(%dma_wait3A_77 : memref<10240x128xf32, #tpu.memory_space<vmem_shared>>)
        tpu.yield
      }) : () -> ()
    }
    %scan3A_29 = arith.constant 125 : i32
    %barrier3A_30 = arith.constant 0 : index
    tpu.barrier barrier_id(%barrier3A_30)
    "tpu.region"() ({
      %run_scoped3A = tpu.sem_alloc : memref<!tpu.dma_semaphore, #tpu.memory_space<semaphore_mem>>
      %dma_start3A = arith.constant 0 : i32
      %dma_start3A_62 = tpu.memref_slice %arg5[%arg0, %mul3A_7, %dma_start3A] : memref<2x10240x128xf32, #tpu.memory_space<hbm>> -> memref<1x640x128xf32, #tpu.memory_space<hbm>>
      %dma_start3A_63 = tpu.memref_squeeze %dma_start3A_62 : memref<1x640x128xf32, #tpu.memory_space<hbm>> -> memref<640x128xf32, #tpu.memory_space<hbm>>
      %dma_start3A_64 = arith.constant 0 : i32
      %dma_start3A_65 = tpu.memref_slice %arg11[%mul3A_7, %dma_start3A_64] : memref<10240x128xf32, #tpu.memory_space<vmem_shared>> -> memref<640x128xf32, #tpu.memory_space<vmem_shared>>
      tpu.enqueue_dma source(%dma_start3A_65 : memref<640x128xf32, #tpu.memory_space<vmem_shared>>) target(%dma_start3A_63 : memref<640x128xf32, #tpu.memory_space<hbm>>) target_semaphore(%run_scoped3A : memref<!tpu.dma_semaphore, #tpu.memory_space<semaphore_mem>>)
      %dma_wait3A = arith.constant 0 : i32
      %dma_wait3A_66 = tpu.memref_slice %arg5[%arg0, %mul3A_7, %dma_wait3A] : memref<2x10240x128xf32, #tpu.memory_space<hbm>> -> memref<1x640x128xf32, #tpu.memory_space<hbm>>
      %dma_wait3A_67 = tpu.memref_squeeze %dma_wait3A_66 : memref<1x640x128xf32, #tpu.memory_space<hbm>> -> memref<640x128xf32, #tpu.memory_space<hbm>>
      %dma_wait3A_68 = arith.constant 0 : i32
      %dma_wait3A_69 = tpu.memref_slice %arg11[%mul3A_7, %dma_wait3A_68] : memref<10240x128xf32, #tpu.memory_space<vmem_shared>> -> memref<640x128xf32, #tpu.memory_space<vmem_shared>>
      tpu.wait_dma2 semaphore(%run_scoped3A : memref<!tpu.dma_semaphore, #tpu.memory_space<semaphore_mem>>) src(%dma_wait3A_69 : memref<640x128xf32, #tpu.memory_space<vmem_shared>>) dst(%dma_wait3A_67 : memref<640x128xf32, #tpu.memory_space<hbm>>)
      tpu.yield
    }) : () -> ()
    %barrier3A_31 = arith.constant 0 : index
    tpu.barrier barrier_id(%barrier3A_31)
    %scan3A_32 = arith.constant 0 : i32
    %scan3A_33 = arith.constant 0 : i32
    %scan3A_34 = arith.constant 80 : i32
    %scan3A_35 = arith.addi %scan3A_33, %scan3A_34 : i32
    %scan3A_36 = arith.constant 1 : i32
    scf.for %scan3A_62 = %scan3A_33 to %scan3A_35 step %scan3A_36  : i32 {
      %broadcast_in_dim3A = arith.constant 0.000000e+00 : f32
      %broadcast_in_dim3A_63 = vector.broadcast %broadcast_in_dim3A : f32 to vector<16xf32>
      %swap3A = arith.index_cast %scan3A_62 : i32 to index
      %swap3A_64 = arith.constant 0 : index
      %swap3A_65 = tpu.vector_load %arg9[%swap3A, %swap3A_64] {strides = array<i32>} : memref<80x128xf32, #tpu.memory_space<vmem>>, vector<1x16xf32>,
      %swap3A_66 = vector.shape_cast %swap3A_65 : vector<1x16xf32> to vector<16xf32>
      %swap3A_67 = vector.shape_cast %broadcast_in_dim3A_63 : vector<16xf32> to vector<1x16xf32>
      tpu.vector_store %arg9[%swap3A, %swap3A_64], %swap3A_67 {strides = array<i32>} : memref<80x128xf32, #tpu.memory_space<vmem>>, vector<1x16xf32>,
      %broadcast_in_dim3A_68 = arith.constant 0.000000e+00 : f32
      %broadcast_in_dim3A_69 = vector.broadcast %broadcast_in_dim3A_68 : f32 to vector<16xf32>
      %swap3A_70 = arith.index_cast %scan3A_62 : i32 to index
      %swap3A_71 = arith.constant 16 : index
      %swap3A_72 = tpu.vector_load %arg9[%swap3A_70, %swap3A_71] {strides = array<i32>} : memref<80x128xf32, #tpu.memory_space<vmem>>, vector<1x16xf32>,
      %swap3A_73 = vector.shape_cast %swap3A_72 : vector<1x16xf32> to vector<16xf32>
      %swap3A_74 = vector.shape_cast %broadcast_in_dim3A_69 : vector<16xf32> to vector<1x16xf32>
      tpu.vector_store %arg9[%swap3A_70, %swap3A_71], %swap3A_74 {strides = array<i32>} : memref<80x128xf32, #tpu.memory_space<vmem>>, vector<1x16xf32>,
      %broadcast_in_dim3A_75 = arith.constant 0.000000e+00 : f32
      %broadcast_in_dim3A_76 = vector.broadcast %broadcast_in_dim3A_75 : f32 to vector<16xf32>
      %swap3A_77 = arith.index_cast %scan3A_62 : i32 to index
      %swap3A_78 = arith.constant 32 : index
      %swap3A_79 = tpu.vector_load %arg9[%swap3A_77, %swap3A_78] {strides = array<i32>} : memref<80x128xf32, #tpu.memory_space<vmem>>, vector<1x16xf32>,
      %swap3A_80 = vector.shape_cast %swap3A_79 : vector<1x16xf32> to vector<16xf32>
      %swap3A_81 = vector.shape_cast %broadcast_in_dim3A_76 : vector<16xf32> to vector<1x16xf32>
      tpu.vector_store %arg9[%swap3A_77, %swap3A_78], %swap3A_81 {strides = array<i32>} : memref<80x128xf32, #tpu.memory_space<vmem>>, vector<1x16xf32>,
      %broadcast_in_dim3A_82 = arith.constant 0.000000e+00 : f32
      %broadcast_in_dim3A_83 = vector.broadcast %broadcast_in_dim3A_82 : f32 to vector<16xf32>
      %swap3A_84 = arith.index_cast %scan3A_62 : i32 to index
      %swap3A_85 = arith.constant 48 : index
      %swap3A_86 = tpu.vector_load %arg9[%swap3A_84, %swap3A_85] {strides = array<i32>} : memref<80x128xf32, #tpu.memory_space<vmem>>, vector<1x16xf32>,
      %swap3A_87 = vector.shape_cast %swap3A_86 : vector<1x16xf32> to vector<16xf32>
      %swap3A_88 = vector.shape_cast %broadcast_in_dim3A_83 : vector<16xf32> to vector<1x16xf32>
      tpu.vector_store %arg9[%swap3A_84, %swap3A_85], %swap3A_88 {strides = array<i32>} : memref<80x128xf32, #tpu.memory_space<vmem>>, vector<1x16xf32>,
      %broadcast_in_dim3A_89 = arith.constant 0.000000e+00 : f32
      %broadcast_in_dim3A_90 = vector.broadcast %broadcast_in_dim3A_89 : f32 to vector<16xf32>
      %swap3A_91 = arith.index_cast %scan3A_62 : i32 to index
      %swap3A_92 = arith.constant 64 : index
      %swap3A_93 = tpu.vector_load %arg9[%swap3A_91, %swap3A_92] {strides = array<i32>} : memref<80x128xf32, #tpu.memory_space<vmem>>, vector<1x16xf32>,
      %swap3A_94 = vector.shape_cast %swap3A_93 : vector<1x16xf32> to vector<16xf32>
      %swap3A_95 = vector.shape_cast %broadcast_in_dim3A_90 : vector<16xf32> to vector<1x16xf32>
      tpu.vector_store %arg9[%swap3A_91, %swap3A_92], %swap3A_95 {strides = array<i32>} : memref<80x128xf32, #tpu.memory_space<vmem>>, vector<1x16xf32>,
      %broadcast_in_dim3A_96 = arith.constant 0.000000e+00 : f32
      %broadcast_in_dim3A_97 = vector.broadcast %broadcast_in_dim3A_96 : f32 to vector<16xf32>
      %swap3A_98 = arith.index_cast %scan3A_62 : i32 to index
      %swap3A_99 = arith.constant 80 : index
      %swap3A_100 = tpu.vector_load %arg9[%swap3A_98, %swap3A_99] {strides = array<i32>} : memref<80x128xf32, #tpu.memory_space<vmem>>, vector<1x16xf32>,
      %swap3A_101 = vector.shape_cast %swap3A_100 : vector<1x16xf32> to vector<16xf32>
      %swap3A_102 = vector.shape_cast %broadcast_in_dim3A_97 : vector<16xf32> to vector<1x16xf32>
      tpu.vector_store %arg9[%swap3A_98, %swap3A_99], %swap3A_102 {strides = array<i32>} : memref<80x128xf32, #tpu.memory_space<vmem>>, vector<1x16xf32>,
      %broadcast_in_dim3A_103 = arith.constant 0.000000e+00 : f32
      %broadcast_in_dim3A_104 = vector.broadcast %broadcast_in_dim3A_103 : f32 to vector<16xf32>
      %swap3A_105 = arith.index_cast %scan3A_62 : i32 to index
      %swap3A_106 = arith.constant 96 : index
      %swap3A_107 = tpu.vector_load %arg9[%swap3A_105, %swap3A_106] {strides = array<i32>} : memref<80x128xf32, #tpu.memory_space<vmem>>, vector<1x16xf32>,
      %swap3A_108 = vector.shape_cast %swap3A_107 : vector<1x16xf32> to vector<16xf32>
      %swap3A_109 = vector.shape_cast %broadcast_in_dim3A_104 : vector<16xf32> to vector<1x16xf32>
      tpu.vector_store %arg9[%swap3A_105, %swap3A_106], %swap3A_109 {strides = array<i32>} : memref<80x128xf32, #tpu.memory_space<vmem>>, vector<1x16xf32>,
      %broadcast_in_dim3A_110 = arith.constant 0.000000e+00 : f32
      %broadcast_in_dim3A_111 = vector.broadcast %broadcast_in_dim3A_110 : f32 to vector<16xf32>
      %swap3A_112 = arith.index_cast %scan3A_62 : i32 to index
      %swap3A_113 = arith.constant 112 : index
      %swap3A_114 = tpu.vector_load %arg9[%swap3A_112, %swap3A_113] {strides = array<i32>} : memref<80x128xf32, #tpu.memory_space<vmem>>, vector<1x16xf32>,
      %swap3A_115 = vector.shape_cast %swap3A_114 : vector<1x16xf32> to vector<16xf32>
      %swap3A_116 = vector.shape_cast %broadcast_in_dim3A_111 : vector<16xf32> to vector<1x16xf32>
      tpu.vector_store %arg9[%swap3A_112, %swap3A_113], %swap3A_116 {strides = array<i32>} : memref<80x128xf32, #tpu.memory_space<vmem>>, vector<1x16xf32>,
    }
    %scan3A_37 = arith.constant 80 : i32
    %add3A_38 = arith.constant 0 : i32
    %add3A_39 = arith.addi %mul3A_7, %add3A_38 : i32
    "tpu.region"() ({
      %run_scoped3A = tpu.sem_alloc : memref<!tpu.dma_semaphore, #tpu.memory_space<semaphore_mem>>
      %dma_start3A = arith.constant 0 : i32
      %dma_start3A_62 = tpu.memref_slice %arg11[%add3A_39, %dma_start3A] : memref<10240x128xf32, #tpu.memory_space<vmem_shared>> -> memref<80x128xf32, #tpu.memory_space<vmem_shared>>
      %dma_start3A_63 = arith.constant 0 : i32
      %dma_start3A_64 = tpu.memref_slice %arg11[%add3A_39, %dma_start3A_63] : memref<10240x128xf32, #tpu.memory_space<vmem_shared>> -> memref<80x128xf32, #tpu.memory_space<vmem_shared>>
      tpu.enqueue_dma source(%arg9 : memref<80x128xf32, #tpu.memory_space<vmem>>) target(%dma_start3A_64 : memref<80x128xf32, #tpu.memory_space<vmem_shared>>) target_semaphore(%run_scoped3A : memref<!tpu.dma_semaphore, #tpu.memory_space<semaphore_mem>>)
      %dma_wait3A = arith.constant 0 : i32
      %dma_wait3A_65 = tpu.memref_slice %arg11[%add3A_39, %dma_wait3A] : memref<10240x128xf32, #tpu.memory_space<vmem_shared>> -> memref<80x128xf32, #tpu.memory_space<vmem_shared>>
      %dma_wait3A_66 = arith.constant 0 : i32
      %dma_wait3A_67 = tpu.memref_slice %arg11[%add3A_39, %dma_wait3A_66] : memref<10240x128xf32, #tpu.memory_space<vmem_shared>> -> memref<80x128xf32, #tpu.memory_space<vmem_shared>>
      tpu.wait_dma2 semaphore(%run_scoped3A : memref<!tpu.dma_semaphore, #tpu.memory_space<semaphore_mem>>) src(%arg9 : memref<80x128xf32, #tpu.memory_space<vmem>>) dst(%dma_wait3A_67 : memref<80x128xf32, #tpu.memory_space<vmem_shared>>)
      tpu.yield
    }) : () -> ()
    %add3A_40 = arith.constant 80 : i32
    %add3A_41 = arith.addi %mul3A_7, %add3A_40 : i32
    "tpu.region"() ({
      %run_scoped3A = tpu.sem_alloc : memref<!tpu.dma_semaphore, #tpu.memory_space<semaphore_mem>>
      %dma_start3A = arith.constant 0 : i32
      %dma_start3A_62 = tpu.memref_slice %arg11[%add3A_41, %dma_start3A] : memref<10240x128xf32, #tpu.memory_space<vmem_shared>> -> memref<80x128xf32, #tpu.memory_space<vmem_shared>>
      %dma_start3A_63 = arith.constant 0 : i32
      %dma_start3A_64 = tpu.memref_slice %arg11[%add3A_41, %dma_start3A_63] : memref<10240x128xf32, #tpu.memory_space<vmem_shared>> -> memref<80x128xf32, #tpu.memory_space<vmem_shared>>
      tpu.enqueue_dma source(%arg9 : memref<80x128xf32, #tpu.memory_space<vmem>>) target(%dma_start3A_64 : memref<80x128xf32, #tpu.memory_space<vmem_shared>>) target_semaphore(%run_scoped3A : memref<!tpu.dma_semaphore, #tpu.memory_space<semaphore_mem>>)
      %dma_wait3A = arith.constant 0 : i32
      %dma_wait3A_65 = tpu.memref_slice %arg11[%add3A_41, %dma_wait3A] : memref<10240x128xf32, #tpu.memory_space<vmem_shared>> -> memref<80x128xf32, #tpu.memory_space<vmem_shared>>
      %dma_wait3A_66 = arith.constant 0 : i32
      %dma_wait3A_67 = tpu.memref_slice %arg11[%add3A_41, %dma_wait3A_66] : memref<10240x128xf32, #tpu.memory_space<vmem_shared>> -> memref<80x128xf32, #tpu.memory_space<vmem_shared>>
      tpu.wait_dma2 semaphore(%run_scoped3A : memref<!tpu.dma_semaphore, #tpu.memory_space<semaphore_mem>>) src(%arg9 : memref<80x128xf32, #tpu.memory_space<vmem>>) dst(%dma_wait3A_67 : memref<80x128xf32, #tpu.memory_space<vmem_shared>>)
      tpu.yield
    }) : () -> ()
    %add3A_42 = arith.constant 160 : i32
    %add3A_43 = arith.addi %mul3A_7, %add3A_42 : i32
    "tpu.region"() ({
      %run_scoped3A = tpu.sem_alloc : memref<!tpu.dma_semaphore, #tpu.memory_space<semaphore_mem>>
      %dma_start3A = arith.constant 0 : i32
      %dma_start3A_62 = tpu.memref_slice %arg11[%add3A_43, %dma_start3A] : memref<10240x128xf32, #tpu.memory_space<vmem_shared>> -> memref<80x128xf32, #tpu.memory_space<vmem_shared>>
      %dma_start3A_63 = arith.constant 0 : i32
      %dma_start3A_64 = tpu.memref_slice %arg11[%add3A_43, %dma_start3A_63] : memref<10240x128xf32, #tpu.memory_space<vmem_shared>> -> memref<80x128xf32, #tpu.memory_space<vmem_shared>>
      tpu.enqueue_dma source(%arg9 : memref<80x128xf32, #tpu.memory_space<vmem>>) target(%dma_start3A_64 : memref<80x128xf32, #tpu.memory_space<vmem_shared>>) target_semaphore(%run_scoped3A : memref<!tpu.dma_semaphore, #tpu.memory_space<semaphore_mem>>)
      %dma_wait3A = arith.constant 0 : i32
      %dma_wait3A_65 = tpu.memref_slice %arg11[%add3A_43, %dma_wait3A] : memref<10240x128xf32, #tpu.memory_space<vmem_shared>> -> memref<80x128xf32, #tpu.memory_space<vmem_shared>>
      %dma_wait3A_66 = arith.constant 0 : i32
      %dma_wait3A_67 = tpu.memref_slice %arg11[%add3A_43, %dma_wait3A_66] : memref<10240x128xf32, #tpu.memory_space<vmem_shared>> -> memref<80x128xf32, #tpu.memory_space<vmem_shared>>
      tpu.wait_dma2 semaphore(%run_scoped3A : memref<!tpu.dma_semaphore, #tpu.memory_space<semaphore_mem>>) src(%arg9 : memref<80x128xf32, #tpu.memory_space<vmem>>) dst(%dma_wait3A_67 : memref<80x128xf32, #tpu.memory_space<vmem_shared>>)
      tpu.yield
    }) : () -> ()
    %add3A_44 = arith.constant 240 : i32
    %add3A_45 = arith.addi %mul3A_7, %add3A_44 : i32
    "tpu.region"() ({
      %run_scoped3A = tpu.sem_alloc : memref<!tpu.dma_semaphore, #tpu.memory_space<semaphore_mem>>
      %dma_start3A = arith.constant 0 : i32
      %dma_start3A_62 = tpu.memref_slice %arg11[%add3A_45, %dma_start3A] : memref<10240x128xf32, #tpu.memory_space<vmem_shared>> -> memref<80x128xf32, #tpu.memory_space<vmem_shared>>
      %dma_start3A_63 = arith.constant 0 : i32
      %dma_start3A_64 = tpu.memref_slice %arg11[%add3A_45, %dma_start3A_63] : memref<10240x128xf32, #tpu.memory_space<vmem_shared>> -> memref<80x128xf32, #tpu.memory_space<vmem_shared>>
      tpu.enqueue_dma source(%arg9 : memref<80x128xf32, #tpu.memory_space<vmem>>) target(%dma_start3A_64 : memref<80x128xf32, #tpu.memory_space<vmem_shared>>) target_semaphore(%run_scoped3A : memref<!tpu.dma_semaphore, #tpu.memory_space<semaphore_mem>>)
      %dma_wait3A = arith.constant 0 : i32
      %dma_wait3A_65 = tpu.memref_slice %arg11[%add3A_45, %dma_wait3A] : memref<10240x128xf32, #tpu.memory_space<vmem_shared>> -> memref<80x128xf32, #tpu.memory_space<vmem_shared>>
      %dma_wait3A_66 = arith.constant 0 : i32
      %dma_wait3A_67 = tpu.memref_slice %arg11[%add3A_45, %dma_wait3A_66] : memref<10240x128xf32, #tpu.memory_space<vmem_shared>> -> memref<80x128xf32, #tpu.memory_space<vmem_shared>>
      tpu.wait_dma2 semaphore(%run_scoped3A : memref<!tpu.dma_semaphore, #tpu.memory_space<semaphore_mem>>) src(%arg9 : memref<80x128xf32, #tpu.memory_space<vmem>>) dst(%dma_wait3A_67 : memref<80x128xf32, #tpu.memory_space<vmem_shared>>)
      tpu.yield
    }) : () -> ()
    %add3A_46 = arith.constant 320 : i32
    %add3A_47 = arith.addi %mul3A_7, %add3A_46 : i32
    "tpu.region"() ({
      %run_scoped3A = tpu.sem_alloc : memref<!tpu.dma_semaphore, #tpu.memory_space<semaphore_mem>>
      %dma_start3A = arith.constant 0 : i32
      %dma_start3A_62 = tpu.memref_slice %arg11[%add3A_47, %dma_start3A] : memref<10240x128xf32, #tpu.memory_space<vmem_shared>> -> memref<80x128xf32, #tpu.memory_space<vmem_shared>>
      %dma_start3A_63 = arith.constant 0 : i32
      %dma_start3A_64 = tpu.memref_slice %arg11[%add3A_47, %dma_start3A_63] : memref<10240x128xf32, #tpu.memory_space<vmem_shared>> -> memref<80x128xf32, #tpu.memory_space<vmem_shared>>
      tpu.enqueue_dma source(%arg9 : memref<80x128xf32, #tpu.memory_space<vmem>>) target(%dma_start3A_64 : memref<80x128xf32, #tpu.memory_space<vmem_shared>>) target_semaphore(%run_scoped3A : memref<!tpu.dma_semaphore, #tpu.memory_space<semaphore_mem>>)
      %dma_wait3A = arith.constant 0 : i32
      %dma_wait3A_65 = tpu.memref_slice %arg11[%add3A_47, %dma_wait3A] : memref<10240x128xf32, #tpu.memory_space<vmem_shared>> -> memref<80x128xf32, #tpu.memory_space<vmem_shared>>
      %dma_wait3A_66 = arith.constant 0 : i32
      %dma_wait3A_67 = tpu.memref_slice %arg11[%add3A_47, %dma_wait3A_66] : memref<10240x128xf32, #tpu.memory_space<vmem_shared>> -> memref<80x128xf32, #tpu.memory_space<vmem_shared>>
      tpu.wait_dma2 semaphore(%run_scoped3A : memref<!tpu.dma_semaphore, #tpu.memory_space<semaphore_mem>>) src(%arg9 : memref<80x128xf32, #tpu.memory_space<vmem>>) dst(%dma_wait3A_67 : memref<80x128xf32, #tpu.memory_space<vmem_shared>>)
      tpu.yield
    }) : () -> ()
    %add3A_48 = arith.constant 400 : i32
    %add3A_49 = arith.addi %mul3A_7, %add3A_48 : i32
    "tpu.region"() ({
      %run_scoped3A = tpu.sem_alloc : memref<!tpu.dma_semaphore, #tpu.memory_space<semaphore_mem>>
      %dma_start3A = arith.constant 0 : i32
      %dma_start3A_62 = tpu.memref_slice %arg11[%add3A_49, %dma_start3A] : memref<10240x128xf32, #tpu.memory_space<vmem_shared>> -> memref<80x128xf32, #tpu.memory_space<vmem_shared>>
      %dma_start3A_63 = arith.constant 0 : i32
      %dma_start3A_64 = tpu.memref_slice %arg11[%add3A_49, %dma_start3A_63] : memref<10240x128xf32, #tpu.memory_space<vmem_shared>> -> memref<80x128xf32, #tpu.memory_space<vmem_shared>>
      tpu.enqueue_dma source(%arg9 : memref<80x128xf32, #tpu.memory_space<vmem>>) target(%dma_start3A_64 : memref<80x128xf32, #tpu.memory_space<vmem_shared>>) target_semaphore(%run_scoped3A : memref<!tpu.dma_semaphore, #tpu.memory_space<semaphore_mem>>)
      %dma_wait3A = arith.constant 0 : i32
      %dma_wait3A_65 = tpu.memref_slice %arg11[%add3A_49, %dma_wait3A] : memref<10240x128xf32, #tpu.memory_space<vmem_shared>> -> memref<80x128xf32, #tpu.memory_space<vmem_shared>>
      %dma_wait3A_66 = arith.constant 0 : i32
      %dma_wait3A_67 = tpu.memref_slice %arg11[%add3A_49, %dma_wait3A_66] : memref<10240x128xf32, #tpu.memory_space<vmem_shared>> -> memref<80x128xf32, #tpu.memory_space<vmem_shared>>
      tpu.wait_dma2 semaphore(%run_scoped3A : memref<!tpu.dma_semaphore, #tpu.memory_space<semaphore_mem>>) src(%arg9 : memref<80x128xf32, #tpu.memory_space<vmem>>) dst(%dma_wait3A_67 : memref<80x128xf32, #tpu.memory_space<vmem_shared>>)
      tpu.yield
    }) : () -> ()
    %add3A_50 = arith.constant 480 : i32
    %add3A_51 = arith.addi %mul3A_7, %add3A_50 : i32
    "tpu.region"() ({
      %run_scoped3A = tpu.sem_alloc : memref<!tpu.dma_semaphore, #tpu.memory_space<semaphore_mem>>
      %dma_start3A = arith.constant 0 : i32
      %dma_start3A_62 = tpu.memref_slice %arg11[%add3A_51, %dma_start3A] : memref<10240x128xf32, #tpu.memory_space<vmem_shared>> -> memref<80x128xf32, #tpu.memory_space<vmem_shared>>
      %dma_start3A_63 = arith.constant 0 : i32
      %dma_start3A_64 = tpu.memref_slice %arg11[%add3A_51, %dma_start3A_63] : memref<10240x128xf32, #tpu.memory_space<vmem_shared>> -> memref<80x128xf32, #tpu.memory_space<vmem_shared>>
      tpu.enqueue_dma source(%arg9 : memref<80x128xf32, #tpu.memory_space<vmem>>) target(%dma_start3A_64 : memref<80x128xf32, #tpu.memory_space<vmem_shared>>) target_semaphore(%run_scoped3A : memref<!tpu.dma_semaphore, #tpu.memory_space<semaphore_mem>>)
      %dma_wait3A = arith.constant 0 : i32
      %dma_wait3A_65 = tpu.memref_slice %arg11[%add3A_51, %dma_wait3A] : memref<10240x128xf32, #tpu.memory_space<vmem_shared>> -> memref<80x128xf32, #tpu.memory_space<vmem_shared>>
      %dma_wait3A_66 = arith.constant 0 : i32
      %dma_wait3A_67 = tpu.memref_slice %arg11[%add3A_51, %dma_wait3A_66] : memref<10240x128xf32, #tpu.memory_space<vmem_shared>> -> memref<80x128xf32, #tpu.memory_space<vmem_shared>>
      tpu.wait_dma2 semaphore(%run_scoped3A : memref<!tpu.dma_semaphore, #tpu.memory_space<semaphore_mem>>) src(%arg9 : memref<80x128xf32, #tpu.memory_space<vmem>>) dst(%dma_wait3A_67 : memref<80x128xf32, #tpu.memory_space<vmem_shared>>)
      tpu.yield
    }) : () -> ()
    %add3A_52 = arith.constant 560 : i32
    %add3A_53 = arith.addi %mul3A_7, %add3A_52 : i32
    "tpu.region"() ({
      %run_scoped3A = tpu.sem_alloc : memref<!tpu.dma_semaphore, #tpu.memory_space<semaphore_mem>>
      %dma_start3A = arith.constant 0 : i32
      %dma_start3A_62 = tpu.memref_slice %arg11[%add3A_53, %dma_start3A] : memref<10240x128xf32, #tpu.memory_space<vmem_shared>> -> memref<80x128xf32, #tpu.memory_space<vmem_shared>>
      %dma_start3A_63 = arith.constant 0 : i32
      %dma_start3A_64 = tpu.memref_slice %arg11[%add3A_53, %dma_start3A_63] : memref<10240x128xf32, #tpu.memory_space<vmem_shared>> -> memref<80x128xf32, #tpu.memory_space<vmem_shared>>
      tpu.enqueue_dma source(%arg9 : memref<80x128xf32, #tpu.memory_space<vmem>>) target(%dma_start3A_64 : memref<80x128xf32, #tpu.memory_space<vmem_shared>>) target_semaphore(%run_scoped3A : memref<!tpu.dma_semaphore, #tpu.memory_space<semaphore_mem>>)
      %dma_wait3A = arith.constant 0 : i32
      %dma_wait3A_65 = tpu.memref_slice %arg11[%add3A_53, %dma_wait3A] : memref<10240x128xf32, #tpu.memory_space<vmem_shared>> -> memref<80x128xf32, #tpu.memory_space<vmem_shared>>
      %dma_wait3A_66 = arith.constant 0 : i32
      %dma_wait3A_67 = tpu.memref_slice %arg11[%add3A_53, %dma_wait3A_66] : memref<10240x128xf32, #tpu.memory_space<vmem_shared>> -> memref<80x128xf32, #tpu.memory_space<vmem_shared>>
      tpu.wait_dma2 semaphore(%run_scoped3A : memref<!tpu.dma_semaphore, #tpu.memory_space<semaphore_mem>>) src(%arg9 : memref<80x128xf32, #tpu.memory_space<vmem>>) dst(%dma_wait3A_67 : memref<80x128xf32, #tpu.memory_space<vmem_shared>>)
      tpu.yield
    }) : () -> ()
    %barrier3A_54 = arith.constant 0 : index
    tpu.barrier barrier_id(%barrier3A_54)
    %scan3A_55 = arith.constant 0 : i32
    %scan3A_56 = arith.constant 0 : i32
    %scan3A_57 = arith.constant 125 : i32
    %scan3A_58 = arith.addi %scan3A_56, %scan3A_57 : i32
    %scan3A_59 = arith.constant 1 : i32
    scf.for %scan3A_62 = %scan3A_56 to %scan3A_58 step %scan3A_59  : i32 {
      %mul3A_63 = arith.constant 32 : i32
      %mul3A_64 = arith.muli %scan3A_62, %mul3A_63 : i32
      %add3A_65 = arith.addi %mul3A_64, %add3A : i32
      %mul3A_66 = arith.constant 80 : i32
      %mul3A_67 = arith.muli %add3A_65, %mul3A_66 : i32
      "tpu.region"() ({
        %run_scoped3A = tpu.sem_alloc : memref<!tpu.dma_semaphore, #tpu.memory_space<semaphore_mem>>
        %dma_start3A = tpu.memref_slice %arg4[%mul3A_67] : memref<320000xi32, #tpu.memory_space<hbm>> -> memref<80xi32, #tpu.memory_space<hbm>>
        %dma_start3A_68 = tpu.memref_slice %arg4[%mul3A_67] : memref<320000xi32, #tpu.memory_space<hbm>> -> memref<80xi32, #tpu.memory_space<hbm>>
        tpu.enqueue_dma source(%dma_start3A_68 : memref<80xi32, #tpu.memory_space<hbm>>) target(%arg8 : memref<80xi32, #tpu.memory_space<vmem>>) target_semaphore(%run_scoped3A : memref<!tpu.dma_semaphore, #tpu.memory_space<semaphore_mem>>)
        %dma_wait3A = tpu.memref_slice %arg4[%mul3A_67] : memref<320000xi32, #tpu.memory_space<hbm>> -> memref<80xi32, #tpu.memory_space<hbm>>
        %dma_wait3A_69 = tpu.memref_slice %arg4[%mul3A_67] : memref<320000xi32, #tpu.memory_space<hbm>> -> memref<80xi32, #tpu.memory_space<hbm>>
        tpu.wait_dma2 semaphore(%run_scoped3A : memref<!tpu.dma_semaphore, #tpu.memory_space<semaphore_mem>>) src(%dma_wait3A_69 : memref<80xi32, #tpu.memory_space<hbm>>) dst(%arg8 : memref<80xi32, #tpu.memory_space<vmem>>)
        tpu.yield
      }) : () -> ()
      "tpu.region"() ({
        %run_scoped3A = tpu.sem_alloc : memref<!tpu.dma_semaphore, #tpu.memory_space<semaphore_mem>>
        %dma_start3A = arith.constant 0 : i32
        %dma_start3A_68 = arith.constant 0 : i32
        %dma_start3A_69 = tpu.memref_slice %arg11[%dma_start3A, %dma_start3A_68] : memref<10240x128xf32, #tpu.memory_space<vmem_shared>> -> memref<10240x128xf32, #tpu.memory_space<vmem_shared>>
        tpu.enqueue_indirect_dma source(%arg10 : memref<80x128xf32, #tpu.memory_space<vmem>>) target(%dma_start3A_69 : memref<10240x128xf32, #tpu.memory_space<vmem_shared>>) offsets(%arg8 : memref<80xi32, #tpu.memory_space<vmem>>) semaphore(%run_scoped3A : memref<!tpu.dma_semaphore, #tpu.memory_space<semaphore_mem>>) {add = true}
        %dma_wait3A = arith.constant 0 : i32
        %dma_wait3A_70 = arith.constant 0 : i32
        %dma_wait3A_71 = tpu.memref_slice %arg11[%dma_wait3A, %dma_wait3A_70] : memref<10240x128xf32, #tpu.memory_space<vmem_shared>> -> memref<10240x128xf32, #tpu.memory_space<vmem_shared>>
        tpu.wait_indirect_dma semaphore(%run_scoped3A : memref<!tpu.dma_semaphore, #tpu.memory_space<semaphore_mem>>) src(%arg10 : memref<80x128xf32, #tpu.memory_space<vmem>>) dst(%dma_wait3A_71 : memref<10240x128xf32, #tpu.memory_space<vmem_shared>>)
        tpu.yield
      }) : () -> ()
    }
    %scan3A_60 = arith.constant 125 : i32
    %barrier3A_61 = arith.constant 0 : index
    tpu.barrier barrier_id(%barrier3A_61)
    "tpu.region"() ({
      %run_scoped3A = tpu.sem_alloc : memref<!tpu.dma_semaphore, #tpu.memory_space<semaphore_mem>>
      %dma_start3A = arith.constant 0 : i32
      %dma_start3A_62 = tpu.memref_slice %arg6[%arg0, %mul3A_7, %dma_start3A] : memref<2x10240x128xf32, #tpu.memory_space<hbm>> -> memref<1x640x128xf32, #tpu.memory_space<hbm>>
      %dma_start3A_63 = tpu.memref_squeeze %dma_start3A_62 : memref<1x640x128xf32, #tpu.memory_space<hbm>> -> memref<640x128xf32, #tpu.memory_space<hbm>>
      %dma_start3A_64 = arith.constant 0 : i32
      %dma_start3A_65 = tpu.memref_slice %arg11[%mul3A_7, %dma_start3A_64] : memref<10240x128xf32, #tpu.memory_space<vmem_shared>> -> memref<640x128xf32, #tpu.memory_space<vmem_shared>>
      tpu.enqueue_dma source(%dma_start3A_65 : memref<640x128xf32, #tpu.memory_space<vmem_shared>>) target(%dma_start3A_63 : memref<640x128xf32, #tpu.memory_space<hbm>>) target_semaphore(%run_scoped3A : memref<!tpu.dma_semaphore, #tpu.memory_space<semaphore_mem>>)
      %dma_wait3A = arith.constant 0 : i32
      %dma_wait3A_66 = tpu.memref_slice %arg6[%arg0, %mul3A_7, %dma_wait3A] : memref<2x10240x128xf32, #tpu.memory_space<hbm>> -> memref<1x640x128xf32, #tpu.memory_space<hbm>>
      %dma_wait3A_67 = tpu.memref_squeeze %dma_wait3A_66 : memref<1x640x128xf32, #tpu.memory_space<hbm>> -> memref<640x128xf32, #tpu.memory_space<hbm>>
      %dma_wait3A_68 = arith.constant 0 : i32
      %dma_wait3A_69 = tpu.memref_slice %arg11[%mul3A_7, %dma_wait3A_68] : memref<10240x128xf32, #tpu.memory_space<vmem_shared>> -> memref<640x128xf32, #tpu.memory_space<vmem_shared>>
      tpu.wait_dma2 semaphore(%run_scoped3A : memref<!tpu.dma_semaphore, #tpu.memory_space<semaphore_mem>>) src(%dma_wait3A_69 : memref<640x128xf32, #tpu.memory_space<vmem_shared>>) dst(%dma_wait3A_67 : memref<640x128xf32, #tpu.memory_space<hbm>>)
      tpu.yield
    }) : () -> ()
    return
  }
}

module attributes {stable_mosaic.version = 14 : i64} {
  func.func @body(%arg0: i32, %arg1: memref<1000x128xf32, #tpu.memory_space<vmem>>, %arg2: memref<2x1000x128xf32, #tpu.memory_space<vmem>>, %arg3: memref<2x1000x128xf32, #tpu.memory_space<vmem>>, %arg4: memref<2x10240x128xf32, #tpu.memory_space<vmem>>, %arg5: memref<128x128xf32, #tpu.memory_space<vmem>>, %arg6: memref<8x128xf32, #tpu.memory_space<vmem>>, %arg7: memref<1000x128xf32, #tpu.memory_space<vmem>>) attributes {dimension_semantics = [#tpu.dimension_semantics<arbitrary>], iteration_bounds = array<i64: 10>, scalar_prefetch = 0 : i64, scratch_operands = 0 : i64, tpu.core_type = #tpu.core_type<tc>, window_params = [{transform_indices = @transform_0, window_bounds = array<i64: 1000, 128>}, {transform_indices = @transform_1, window_bounds = array<i64: 2, 1000, 128>}, {transform_indices = @transform_2, window_bounds = array<i64: 2, 1000, 128>}, {pipeline_mode = #tpu.pipeline_mode<synchronous>, transform_indices = @transform_3, window_bounds = array<i64: 2, 10240, 128>}, {pipeline_mode = #tpu.pipeline_mode<synchronous>, transform_indices = @transform_4, window_bounds = array<i64: 128, 128>}, {pipeline_mode = #tpu.pipeline_mode<synchronous>, transform_indices = @transform_5, window_bounds = array<i64: 8, 128>}, {transform_indices = @transform_6, window_bounds = array<i64: 1000, 128>}]} {
    %get3A = arith.constant 0 : index
    %get3A_0 = arith.constant 0 : index
    %get3A_1 = arith.constant 0 : index
    %get3A_2 = vector.load %arg4[%get3A, %get3A_0, %get3A_1] : memref<2x10240x128xf32, #tpu.memory_space<vmem>>, vector<1x10240x128xf32>
    %get3A_3 = vector.shape_cast %get3A_2 : vector<1x10240x128xf32> to vector<10240x128xf32>
    %get3A_4 = arith.constant 1 : index
    %get3A_5 = arith.constant 0 : index
    %get3A_6 = arith.constant 0 : index
    %get3A_7 = vector.load %arg4[%get3A_4, %get3A_5, %get3A_6] : memref<2x10240x128xf32, #tpu.memory_space<vmem>>, vector<1x10240x128xf32>
    %get3A_8 = vector.shape_cast %get3A_7 : vector<1x10240x128xf32> to vector<10240x128xf32>
    %add3A = arith.addf %get3A_3, %get3A_8 : vector<10240x128xf32>
    %reduce_max3A = vector.shape_cast %add3A : vector<10240x128xf32> to vector<1x10240x128xf32>
    %reduce_max3A_9 = arith.constant dense<0xFF800000> : vector<1xf32>
    %reduce_max3A_10 = vector.multi_reduction <maximumf>, %reduce_max3A, %reduce_max3A_9 [1, 2] : vector<1x10240x128xf32> to vector<1xf32>
    %reduce_max3A_11 = vector.shape_cast %reduce_max3A_10 : vector<1xf32> to vector<1x1x1xf32>
    %reduce_max3A_12 = vector.extract %reduce_max3A_11[0, 0, 0] : f32 from vector<1x1x1xf32>
    %add3A_13 = arith.constant 1.000000e+00 : f32
    %add3A_14 = arith.addf %reduce_max3A_12, %add3A_13 : f32
    %div3A = arith.constant 1.000000e+00 : f32
    %div3A_15 = arith.divf %div3A, %add3A_14 : f32
    %get3A_16 = arith.constant 0 : index
    %get3A_17 = arith.constant 0 : index
    %get3A_18 = arith.constant 0 : index
    %get3A_19 = vector.load %arg3[%get3A_16, %get3A_17, %get3A_18] : memref<2x1000x128xf32, #tpu.memory_space<vmem>>, vector<1x1000x1xf32>
    %get3A_20 = vector.shape_cast %get3A_19 : vector<1x1000x1xf32> to vector<1000x1xf32>
    %get3A_21 = arith.constant 1 : index
    %get3A_22 = arith.constant 0 : index
    %get3A_23 = arith.constant 0 : index
    %get3A_24 = vector.load %arg3[%get3A_21, %get3A_22, %get3A_23] : memref<2x1000x128xf32, #tpu.memory_space<vmem>>, vector<1x1000x1xf32>
    %get3A_25 = vector.shape_cast %get3A_24 : vector<1x1000x1xf32> to vector<1000x1xf32>
    %add3A_26 = arith.addf %get3A_20, %get3A_25 : vector<1000x1xf32>
    %get3A_27 = arith.constant 0 : index
    %get3A_28 = arith.constant 0 : index
    %get3A_29 = arith.constant 0 : index
    %get3A_30 = vector.load %arg2[%get3A_27, %get3A_28, %get3A_29] : memref<2x1000x128xf32, #tpu.memory_space<vmem>>, vector<1x1000x128xf32>
    %get3A_31 = vector.shape_cast %get3A_30 : vector<1x1000x128xf32> to vector<1000x128xf32>
    %get3A_32 = arith.constant 1 : index
    %get3A_33 = arith.constant 0 : index
    %get3A_34 = arith.constant 0 : index
    %get3A_35 = vector.load %arg2[%get3A_32, %get3A_33, %get3A_34] : memref<2x1000x128xf32, #tpu.memory_space<vmem>>, vector<1x1000x128xf32>
    %get3A_36 = vector.shape_cast %get3A_35 : vector<1x1000x128xf32> to vector<1000x128xf32>
    %add3A_37 = arith.addf %get3A_31, %get3A_36 : vector<1000x128xf32>
    %get3A_38 = arith.constant 0 : index
    %get3A_39 = arith.constant 0 : index
    %get3A_40 = vector.load %arg1[%get3A_38, %get3A_39] : memref<1000x128xf32, #tpu.memory_space<vmem>>, vector<1000x128xf32>
    %add3A_41 = arith.addf %get3A_40, %add3A_37 : vector<1000x128xf32>
    %add3A_42 = arith.constant 1.000000e+00 : f32
    %add3A_43 = vector.broadcast %add3A_42 : f32 to vector<1000x1xf32>
    %add3A_44 = arith.addf %add3A_26, %add3A_43 : vector<1000x1xf32>
    %div3A_45 = vector.broadcast %add3A_44 : vector<1000x1xf32> to vector<1000x128xf32>
    %div3A_46 = arith.divf %add3A_41, %div3A_45 : vector<1000x128xf32>
    %mul3A = arith.mulf %div3A_46, %div3A_46 : vector<1000x128xf32>
    %reduce_sum3A = arith.constant dense<0.000000e+00> : vector<1000xf32>
    %reduce_sum3A_47 = vector.multi_reduction <add>, %mul3A, %reduce_sum3A [1] : vector<1000x128xf32> to vector<1000xf32>
    %broadcast_in_dim3A = vector.shape_cast %reduce_sum3A_47 : vector<1000xf32> to vector<1000x1xf32>
    %get3A_48 = arith.constant 0 : index
    %get3A_49 = arith.constant 0 : index
    %get3A_50 = vector.load %arg5[%get3A_48, %get3A_49] : memref<128x128xf32, #tpu.memory_space<vmem>>, vector<128x128xf32>
    %dot_general3A = arith.constant dense<0.000000e+00> : vector<1000x128xf32>
    %dot_general3A_51 = tpu.matmul %div3A_46, %get3A_50, %dot_general3A {dimension_numbers = #tpu.dot_dimension_numbers<[1], [0], [0], [1], [0, 0, 1, 1], [], []>, transpose_lhs_hint = false} : vector<1000x128xf32>, vector<128x128xf32>, vector<1000x128xf32> -> vector<1000x128xf32>
    %get3A_52 = arith.constant 0 : index
    %get3A_53 = arith.constant 0 : index
    %get3A_54 = vector.load %arg6[%get3A_52, %get3A_53] : memref<8x128xf32, #tpu.memory_space<vmem>>, vector<1x128xf32>
    %get3A_55 = arith.constant 1 : index
    %get3A_56 = arith.constant 0 : index
    %get3A_57 = vector.load %arg6[%get3A_55, %get3A_56] : memref<8x128xf32, #tpu.memory_space<vmem>>, vector<1x128xf32>
    %get3A_58 = arith.constant 2 : index
    %get3A_59 = arith.constant 0 : index
    %get3A_60 = vector.load %arg6[%get3A_58, %get3A_59] : memref<8x128xf32, #tpu.memory_space<vmem>>, vector<1x128xf32>
    %get3A_61 = arith.constant 3 : index
    %get3A_62 = arith.constant 0 : index
    %get3A_63 = vector.load %arg6[%get3A_61, %get3A_62] : memref<8x128xf32, #tpu.memory_space<vmem>>, vector<1x1xf32>
    %mul3A_64 = arith.constant 2.000000e+00 : f32
    %mul3A_65 = vector.broadcast %mul3A_64 : f32 to vector<1000x128xf32>
    %mul3A_66 = arith.mulf %mul3A_65, %dot_general3A_51 : vector<1000x128xf32>
    %sub3A = vector.broadcast %broadcast_in_dim3A : vector<1000x1xf32> to vector<1000x128xf32>
    %sub3A_67 = arith.subf %sub3A, %mul3A_66 : vector<1000x128xf32>
    %add3A_68 = vector.broadcast %get3A_54 : vector<1x128xf32> to vector<1000x128xf32>
    %add3A_69 = arith.addf %sub3A_67, %add3A_68 : vector<1000x128xf32>
    %mul3A_70 = vector.broadcast %div3A_15 : f32 to vector<1000x1xf32>
    %mul3A_71 = arith.mulf %add3A_26, %mul3A_70 : vector<1000x1xf32>
    %mul3A_72 = arith.constant 2.000000e+00 : f32
    %mul3A_73 = vector.broadcast %mul3A_72 : f32 to vector<1000x1xf32>
    %mul3A_74 = arith.mulf %mul3A_73, %mul3A_71 : vector<1000x1xf32>
    %mul3A_75 = vector.broadcast %mul3A_74 : vector<1000x1xf32> to vector<1000x128xf32>
    %mul3A_76 = vector.broadcast %get3A_60 : vector<1x128xf32> to vector<1000x128xf32>
    %mul3A_77 = arith.mulf %mul3A_75, %mul3A_76 : vector<1000x128xf32>
    %sub3A_78 = vector.broadcast %get3A_57 : vector<1x128xf32> to vector<1000x128xf32>
    %sub3A_79 = arith.subf %sub3A_78, %mul3A_77 : vector<1000x128xf32>
    %mul3A_80 = arith.mulf %mul3A_71, %mul3A_71 : vector<1000x1xf32>
    %add3A_81 = vector.broadcast %mul3A_80 : vector<1000x1xf32> to vector<1000x128xf32>
    %add3A_82 = arith.addf %sub3A_79, %add3A_81 : vector<1000x128xf32>
    %sub3A_83 = arith.constant 1.000000e+00 : f32
    %sub3A_84 = vector.broadcast %sub3A_83 : f32 to vector<1x1xf32>
    %sub3A_85 = arith.subf %sub3A_84, %get3A_63 : vector<1x1xf32>
    %mul3A_86 = vector.broadcast %sub3A_85 : vector<1x1xf32> to vector<1000x128xf32>
    %mul3A_87 = arith.mulf %mul3A_86, %add3A_69 : vector<1000x128xf32>
    %mul3A_88 = vector.broadcast %get3A_63 : vector<1x1xf32> to vector<1000x128xf32>
    %mul3A_89 = arith.mulf %mul3A_88, %add3A_82 : vector<1000x128xf32>
    %add3A_90 = arith.addf %mul3A_87, %mul3A_89 : vector<1000x128xf32>
    %add3A_91 = arith.constant 9.99999993E-9 : f32
    %add3A_92 = vector.broadcast %add3A_91 : f32 to vector<1000x128xf32>
    %add3A_93 = arith.addf %add3A_90, %add3A_92 : vector<1000x128xf32>
    %max3A = arith.constant 9.99999993E-9 : f32
    %max3A_94 = vector.broadcast %max3A : f32 to vector<1000x128xf32>
    %max3A_95 = arith.maximumf %add3A_93, %max3A_94 : vector<1000x128xf32>
    %log3A = math.log %max3A_95 : vector<1000x128xf32>
    %swap3A = arith.constant 0 : index
    %swap3A_96 = arith.constant 0 : index
    %swap3A_97 = vector.load %arg7[%swap3A, %swap3A_96] : memref<1000x128xf32, #tpu.memory_space<vmem>>, vector<1000x128xf32>
    tpu.vector_store %arg7[%swap3A, %swap3A_96], %log3A {strides = array<i32>} : memref<1000x128xf32, #tpu.memory_space<vmem>>, vector<1000x128xf32>,
    return
  }
  func.func @transform_0(%arg0: i32) -> (i32, i32) {
    %c0_i32 = arith.constant 0 : i32
    %c0_i32_0 = arith.constant 0 : i32
    return %arg0, %c0_i32 : i32, i32
  }
  func.func @transform_1(%arg0: i32) -> (i32, i32, i32) {
    %c0_i32 = arith.constant 0 : i32
    %c0_i32_0 = arith.constant 0 : i32
    %c0_i32_1 = arith.constant 0 : i32
    return %c0_i32, %arg0, %c0_i32_0 : i32, i32, i32
  }
  func.func @transform_2(%arg0: i32) -> (i32, i32, i32) {
    %c0_i32 = arith.constant 0 : i32
    %c0_i32_0 = arith.constant 0 : i32
    %c0_i32_1 = arith.constant 0 : i32
    return %c0_i32, %arg0, %c0_i32_0 : i32, i32, i32
  }
  func.func @transform_3(%arg0: i32) -> (i32, i32, i32) {
    %c0_i32 = arith.constant 0 : i32
    %c0_i32_0 = arith.constant 0 : i32
    %c0_i32_1 = arith.constant 0 : i32
    %c0_i32_2 = arith.constant 0 : i32
    return %c0_i32, %c0_i32_0, %c0_i32_1 : i32, i32, i32
  }
  func.func @transform_4(%arg0: i32) -> (i32, i32) {
    %c0_i32 = arith.constant 0 : i32
    %c0_i32_0 = arith.constant 0 : i32
    %c0_i32_1 = arith.constant 0 : i32
    return %c0_i32, %c0_i32_0 : i32, i32
  }
  func.func @transform_5(%arg0: i32) -> (i32, i32) {
    %c0_i32 = arith.constant 0 : i32
    %c0_i32_0 = arith.constant 0 : i32
    %c0_i32_1 = arith.constant 0 : i32
    return %c0_i32, %c0_i32_0 : i32, i32
  }
  func.func @transform_6(%arg0: i32) -> (i32, i32) {
    %c0_i32 = arith.constant 0 : i32
    %c0_i32_0 = arith.constant 0 : i32
    return %arg0, %c0_i32 : i32, i32
  }
}

</mosaic_0001>

<sc_bundles>
// kernel: kernel.4.cloned.1.call-start
scs
__scs_entry_jumppad:
0x0: {  	(pc) =	sbr.rel $0x88, $3  }
0x1: {  	(tag) =	ssettag $0x0;
	lr =	simm.s32 $0x1  }
0x2: {  	[smem:$0x3F9B] =	sst lr;
	_ =	strace $0xD0000000  }
0x3: {  	_ = 	snop  }
0x4: {  	_ = 	snop  }
0x5: {  	_ = 	snop  }
0x6: {  	_ = 	snop  }
0x7: {  	_ = 	snop  }
__scs_overlays_trampoline_lowered:
0x8: {  	[smem:$0x3FAA] =	sst s0  }
0x9: {  	[smem:$0x3FAB] =	sst s1  }
0xa: {  	[smem:$0x3FAC] =	sst s2  }
0xb: {  	[smem:$0x3FAD] =	sst s3  }
0xc: {  	[smem:$0x3FAE] =	sst s4  }
0xd: {  	[smem:$0x3FAF] =	sst s5  }
0xe: {  	[smem:$0x3FB0] =	sst s6  }
0xf: {  	[smem:$0x3FB1] =	sst s7  }
0x10: {  	[smem:$0x3FB2] =	sst s8  }
0x11: {  	[smem:$0x3FB3] =	sst s9;
	s0 =	simm.s32 @!p0 $0x0  }
0x12: {  	s1 =	sld [smem:$0x3F99];
	s0 =	simm.s32 @p0 $0x1  }
0x13: {  	[smem:$0x3FB4] =	sst s0;
	s0 =	simm.s32 @!p1 $0x0  }
0x14: {  	s2 =	sld [smem:$0x3F98];
	s0 =	simm.s32 @p1 $0x1  }
0x15: {  	[smem:$0x3FB5] =	sst s0;
	s0 =	simm.s32 @!p2 $0x0  }
0x16: {  	s3 =	sld [smem:$0x3FDB];
	s0 =	simm.s32 @p2 $0x1  }
0x17: {  	s4 =	simm.s32 $0x1BF5;
	[smem:$0x3FB7] =	sst s0  }
0x18: {  	s0 =	sld [smem:$0x3F9A];
	_ =	swait.ge [sflag:s4], $0x0  }
0x19: {  	s7 =	sld [smem:$0x3F9B]  }
0x1a: {  	s8 =	sadd.s32 $0xFFFFE003, lr  }
0x1b: {  	s9 =	sadd.s32 $0xFFFFFEF7, lr;
	s5 =	simm.s32 $0xFFFFFFFF;
	p2 =	slt.u32 s8, $0xFFFFF086  }
0x1c: {  	p1 =	slt.u32 s9, $0xF7A;
	s5 =	simm.s32 @!p2 $0x0  }
0x1d: {  	s5 =	simm.s32 @p1 $0x1;
	p0 =	seq.s32 s7, s2  }
0x1e: {  	s7 =	smul.u32 @!p0 $0xF7A, s2;
	p2 =	seq.s32 @!p0 s5, $0x0  }
0x1f: {  	s9 =	smul.u32 $0xF7A, s1;
	s8 =	simm.s32 @!p0 $0x1BF5;
	p2 =	por !p2, p0  }
0x20: {  	[sflag:s8] =	ssyncset.s32 @!p0 $0xFFFFF086;
	s6 =	sadd.s32 @!p0 s3, s7;
	s7 =	simm.s32 @!p0 $0x108  }
0x21: {  	s3 =	sadd.s32 s3, s9;
	s6 =	sadd.s32 @!p0 $0x88, s6;
	s7 =	simm.s32 @p2 $0x1082  }
0x22: {  	[simem:s7], [sflag:s8] =	dma.local @!p0 [hbm:s6], $0xF7A  }
0x23: {  	s9 =	sor.u32 $0xD0000000, s2;
	s6 =	simm.s32 $0x108;
	_ =	swait.ge @!p0 [sflag:s8], $0x0  }
0x24: {  	s3 =	sadd.s32 $0x88, s3;
	s6 =	simm.s32 @!p1 $0x1082;
	[sflag:s4] =	ssyncset.s32 $0xFFFFF086  }
0x25: {  	[simem:s6], [sflag:s4] =	dma.local [hbm:s3], $0xF7A  }
0x26: {  	[smem:$0x3F9B] =	sst s1;
	(tag) =	ssettag s2;
	_ =	strace s9  }
0x27: {  	s1 =	sld [smem:$0x3FAB]  }
0x28: {  	s2 =	sld [smem:$0x3FAC]  }
0x29: {  	s4 =	sld [smem:$0x3FAE]  }
0x2a: {  	p0 =	seq.s32 s5, $0x0;
	s5 =	sld [smem:$0x3FAF]  }
0x2b: {  	s6 =	sld [smem:$0x3FB0]  }
0x2c: {  	s7 =	sld [smem:$0x3FB1]  }
0x2d: {  	s3 =	simm.s32 $0x108;
	s8 =	sld [smem:$0x3FB2]  }
0x2e: {  	s3 =	simm.s32 @!p0 $0x1082;
	s9 =	sld [smem:$0x3FB3]  }
0x2f: {  	lr =	sadd.s32 s0, s3;
	s0 =	sld [smem:$0x3FAA]  }
0x30: {  	s3 =	sld [smem:$0x3FAD]  }
0x31: {  	[smem:$0x3FB6] =	sst s10  }
0x32: {  	s10 =	sld [smem:$0x3FB4];
	_ =	sdelay $0x3  }
0x33: {  	p0 =	seq.s32 s10, $0x1;
	s10 =	sld [smem:$0x3FB6];
	_ =	sdelay $0x3  }
0x34: {  	[smem:$0x3FB6] =	sst s10  }
0x35: {  	s10 =	sld [smem:$0x3FB5];
	_ =	sdelay $0x3  }
0x36: {  	p1 =	seq.s32 s10, $0x1;
	s10 =	sld [smem:$0x3FB6];
	_ =	sdelay $0x3  }
0x37: {  	[smem:$0x3FB6] =	sst s10  }
0x38: {  	s10 =	sld [smem:$0x3FB7]  }
0x39: {  	_ = 	snop;
	(pc) =	sbr.ind lr, $3  }
0x3a: {  	_ = 	snop  }
0x3b: {  	_ = 	snop  }
0x3c: {  	p2 =	seq.s32 s10, $0x1;
	s10 =	sld [smem:$0x3FB6]  }
0x3d: {  	_ =	shalt  }
0x3e: {  	_ =	shalt  }
0x3f: {  	_ =	shalt  }
0x40: {  	_ =	shalt  }
0x41: {  	_ =	shalt  }
0x42: {  	_ =	shalt  }
0x43: {  	_ =	shalt  }
0x44: {  	_ =	shalt  }
0x45: {  	_ =	shalt  }
0x46: {  	_ =	shalt  }
0x47: {  	_ =	shalt  }
0x48: {  	_ =	shalt  }
0x49: {  	_ =	shalt  }
0x4a: {  	_ =	shalt  }
0x4b: {  	_ =	shalt  }
0x4c: {  	_ =	shalt  }
0x4d: {  	_ =	shalt  }
0x4e: {  	_ =	shalt  }
0x4f: {  	_ =	shalt  }
0x50: {  	_ =	shalt  }
0x51: {  	_ =	shalt  }
0x52: {  	_ =	shalt  }
0x53: {  	_ =	shalt  }
0x54: {  	_ =	shalt  }
0x55: {  	_ =	shalt  }
0x56: {  	_ =	shalt  }
0x57: {  	_ =	shalt  }
0x58: {  	_ =	shalt  }
0x59: {  	_ =	shalt  }
0x5a: {  	_ =	shalt  }
0x5b: {  	_ =	shalt  }
0x5c: {  	_ =	shalt  }
0x5d: {  	_ =	shalt  }
0x5e: {  	_ =	shalt  }
0x5f: {  	_ =	shalt  }
0x60: {  	_ =	shalt  }
0x61: {  	_ =	shalt  }
0x62: {  	_ =	shalt  }
0x63: {  	_ =	shalt  }
0x64: {  	_ =	shalt  }
0x65: {  	_ =	shalt  }
0x66: {  	_ =	shalt  }
0x67: {  	_ =	shalt  }
0x68: {  	_ =	shalt  }
0x69: {  	_ =	shalt  }
0x6a: {  	_ =	shalt  }
0x6b: {  	_ =	shalt  }
0x6c: {  	_ =	shalt  }
0x6d: {  	_ =	shalt  }
0x6e: {  	_ =	shalt  }
0x6f: {  	_ =	shalt  }
0x70: {  	_ =	shalt  }
0x71: {  	_ =	shalt  }
0x72: {  	_ =	shalt  }
0x73: {  	_ =	shalt  }
0x74: {  	_ =	shalt  }
0x75: {  	_ =	shalt  }
0x76: {  	_ =	shalt  }
0x77: {  	_ =	shalt  }
0x78: {  	_ =	shalt  }
0x79: {  	_ =	shalt  }
0x7a: {  	_ =	shalt  }
0x7b: {  	_ =	shalt  }
0x7c: {  	_ =	shalt  }
0x7d: {  	_ =	shalt  }
0x7e: {  	_ =	shalt  }
0x7f: {  	_ =	shalt  }
0x80: {  	_ =	shalt  }
0x81: {  	_ =	shalt  }
0x82: {  	_ =	shalt  }
0x83: {  	_ =	shalt  }
0x84: {  	_ =	shalt  }
0x85: {  	_ =	shalt  }
0x86: {  	_ =	shalt  }
0x87: {  	_ =	shalt  }
.Lfunc_end0:
.L_simem_size_0:
called_computation_lowered:
.L_overlay_start_0:
0x88: {  	s2 =	sld [smem:$0x3FD9]  }
0x89: {  	s3 =	sld [smem:$0x3FFE];
	_ =	sdelay $0x1  }
0x8a: {  	s1 =	srdreg.scid  }
0x8b: {  	s0 =	sand.u32 $0x1, s1  }
0x8c: {  	s17 =	sshll.u32 s0, $0xA;
	s2 =	sadd.s32 s3, s2  }
0x8d: {  	s2 =	sadd.s32 s2, s17  }
0x8e: {  	[smem:$0x3FC2] =	sst s2  }
0x8f: {  	_ = 	snop  }
0x90: {  	s2 =	sld [smem:$0x3FC9];
	(tm) =	ssettm $0x1  }
0x91: {  	s18 =	sld [smem:$0x3FFB];
	_ =	sdelay $0x3  }
0x92: {  	_ =	strace s18  }
0x93: {  	s3 =	sld [smem:$0x3FFC];
	_ =	sdelay $0x3  }
0x94: {  	_ =	strace s3  }
0x95: {  	s3 =	sld [smem:$0x3FFD];
	_ =	sdelay $0x3  }
0x96: {  	_ =	strace s3  }
0x97: {  	_ =	strace $0x8FFFFFFF  }
0x98: {  	s19 =	sld [smem:$0x3FDB];
	_ =	sdelay $0x1  }
0x99: {  	s4 =	simm.s32 $_scs_section_size  }
0x9a: {  	s5 =	simm.s32 $_size__tile_overlayer_lowered;
	s6 =	simm.s32 $_tile_overlayer_lowered  }
0x9b: {  	s22 =	simm.s32 $0x1BFF;
	s21 =	sshll.u32 s6, $0x1;
	s3 =	sadd.s32 s4, s19  }
0x9c: {  	s7 =	simm.s32 $0x0;
	s20 =	sshll.u32 s5, $0x1;
	s5 =	sadd.s32 s21, s3  }
0x9d: {  	[timem:s7], [sflag:s22] =	dma.local [hbm:s5], s20  }
0x9e: {  	_ =	swait.ge [sflag:s22], s20  }
0x9f: {  	s4 =	ssub.s32 $0x0, s20;
	[sflag:s22] =	ssyncset.done $0x0  }
0xa0: {  	[sflag:s22] =	ssyncadd.s32 s4;
	_ =	sdelay $0x1  }
0xa1: {  	s23 =	simm.s32 $0x1B8B  }
0xa2: {  	_ =	swait.ge [sflag:s23], $0x1  }
0xa3: {  	[sflag:s23] =	ssyncset.done $0x0  }
0xa4: {  	s25 =	simm.s32 $0x1B8E;
	s24 =	sld [smem:$0x3FFE];
	[sflag:s23] =	ssyncadd.s32 $0xFFFFFFFF  }
0xa5: {  	s26 =	simm.s32 $execute0_lowered;
	[smem:$0x3FD2] =	sst s25  }
0xa6: {  	s5 =	sshll.u32 s26, $0x1;
	_ =	strace $0x80000046;
	[dreg:$0x1] =	wrdreg $0xFFFFFFFF  }
0xa7: {  	s28 =	simm.s32 $_size_execute0_lowered;
	s3 =	sadd.s32 s3, s5;
	[dreg:$0x0] =	wrdreg $0x0  }
0xa8: {  	s5 =	sshll.u32 s28, $0x1;
	[dreg:$0x2] =	wrdreg s3  }
0xa9: {  	[dreg:$0x3] =	wrdreg s5  }
0xaa: {  	[dreg:$0x4] =	wrdreg $0xC0  }
0xab: {  	_ =	task [dreg:s7], $0x5FFFF  }
0xac: {  	[dreg:$0x1] =	wrdreg $0xFFFFFFFF  }
0xad: {  	[dreg:$0x0] =	wrdreg $0x60  }
0xae: {  	[dreg:$0x2] =	wrdreg s2  }
0xaf: {  	[dreg:$0x3] =	wrdreg s24  }
0xb0: {  	[dreg:$0x4] =	wrdreg $0x51000  }
0xb1: {  	[dreg:$0x5] =	wrdreg $0x9  }
0xb2: {  	_ =	task.clear_ibuf [dreg:s7], $0x6FFFF;
	_ =	strace $0x90000046  }
0xb3: {  	s29 =	simm.s32 $0x9;
	_ =	strace $0x80000048  }
0xb4: {  	_ =	swait.ge [sflag:s29], $0x1  }
0xb5: {  	[sflag:s29] =	ssyncadd.s32 $0xFFFFFFFF  }
0xb6: {  	_ =	strace $0x90000048  }
0xb7: {  	_ =	sfence  }
0xb8: {  	s30 =	sld [smem:$0x0];
	_ =	sdelay $0x2  }
0xb9: {  	s31 =	sshll.u32 s1, $0xD;
	s1 =	sshrl.u32 s1, $0x2  }
0xba: {  	s3 =	sand.u32 $0x4000, s31;
	s1 =	sadd.s32 s1, s30  }
0xbb: {  	s0 =	sor.u32 s3, s0;
	s1 =	sshll.u32 s1, $0x11  }
0xbc: {  	s0 =	sor.u32 s1, s0  }
0xbd: {  	s0 =	sadd.s32 $0x8F2B, s0  }
0xbe: {  	[sflag:s0] =	ssyncadd.remote.s32 $0x1  }
0xbf: {  	_ =	sfence.sel $0xFFFF  }
0xc0: {  	[dreg:$0x0] =	wrdreg $0xFFFFFFFF;
	(pc) =	sbr.abs _section_cstart, $3  }
0xc1: {  	[dreg:$0x1] =	wrdreg $0xFFFFFFFF  }
0xc2: {  	_ =	task.clear_ibuf [dreg:s7], $0x2FFFF;
	_ =	strace $0x9FFFFFFF  }
0xc3: {  	(tm) =	ssettm $0x7FFFFFFF  }
tec
execute0_lowered:
.L_overlay_start_1:
0x0: {  	(tag) =	ssettag $0x1  }
0x1: {  	s0 =	rddreg [dreg:$0x0]  }
0x2: {  	s13 =	rddreg [dreg:$0x1]  }
0x3: {  	s1 =	srdreg.scid;
	s3 =	rddreg [dreg:$0x2]  }
0x4: {  	s2 =	stileid.u32;
	s4 =	simm.s32 $0x0;
	s18 =	simm.s32 $0x100  }
0x5: {  	s19 =	simm.s32 $0x2;
	s20 =	simm.s32 $0x80;
	s21 =	simm.s32 $0x50  }
0x6: {  	s22 =	simm.s32 $0x1;
	s23 =	simm.s32 $0x2900;
	s6 =	smul.u32 $0x14000, s2  }
0x7: {  	s11 =	sand.u32 $0x1, s1;
	s1 =	rddreg [dreg:$0x3];
	s7 =	smul.u32 $0x50000, s2  }
0x8: {  	s24 =	simm.s32 $0x0;
	[smem:$0x7FF] =	sst s4;
	s15 =	smul.u32 $0x14, s2  }
0x9: {  	s5 =	smul.u32 $0x140000, s11;
	_ =	strace $0x80000047;
	s31 =	ssub.s32 $0x2, s11  }
0xa: {  	s17 =	smul.u32 $0xA, s11;
	s7 =	sshrl.u32 s7, $0x2;
	s9 =	sshrl.u32 s31, $0x1  }
0xb: {  	s15 =	sadd.s32 s15, s13;
	s5 =	sadd.s32 s6, s5;
	s16 =	ssub.s32 s31, s9  }
0xc: {  	s15 =	sadd.s32 s17, s15;
	s8 =	sshrl.u32 s5, $0x3;
	s5 =	sadd.s32 s7, s3  }
0xd: {  	s16 =	smax.u32 s16, $0x1;
	s17 =	sadd.s32 $0x9E00, s15;
	s14 =	sadd.s32 s8, s13  }
0xe: {  	s6 =	sadd.s32 $0x2800, s5;
	s7 =	sadd.s32 $0x5000, s5;
	s8 =	sadd.s32 $0x7800, s5  }
0xf: {  	s9 =	sadd.s32 $0xA000, s5;
	s10 =	sadd.s32 $0xC800, s5;
	s11 =	sadd.s32 $0xF000, s5  }
0x10: {  	v0 =	vimm.f32 $0.0e+00;
	v1 =	vimm.f32 $1.000000000e+00;
	s12 =	sadd.s32 $0x11800, s5;
	s13 =	sadd.s32 $0x13C00, s14;
	s14 =	sadd.s32 $0x63C00, s14  }
.LBB2_1:
0x11: {  	s25 =	simm.s32 $0x0;
	s26 =	simm.s32 $0x200  }
.LBB2_2:
0x12: {  	p0 =	sne.s32 s26, $0x9E00;
	[tilespmem:s25+$0x2970] =	vst v1  }
0x13: {  	[tilespmem:s25+$0x100] =	vst v0  }
0x14: {  	[tilespmem:s25+$0x2900] =	vst v1  }
0x15: {  	[tilespmem:s25+$0x110] =	vst v0  }
0x16: {  	[tilespmem:s25+$0x2910] =	vst v1  }
0x17: {  	[tilespmem:s25+$0x120] =	vst v0  }
0x18: {  	[tilespmem:s25+$0x2920] =	vst v1  }
0x19: {  	[tilespmem:s25+$0x130] =	vst v0  }
0x1a: {  	[tilespmem:s25+$0x2930] =	vst v1  }
0x1b: {  	[tilespmem:s25+$0x140] =	vst v0  }
0x1c: {  	[tilespmem:s25+$0x2940] =	vst v1  }
.Ltmp0:
0x1d: {  	[tilespmem:s25+$0x150] =	vst v0;
	(pc) =	sbr.rel @p0 .LBB2_2-.Ltmp0, $4  }
0x1e: {  	[tilespmem:s25+$0x2950] =	vst v1  }
0x1f: {  	[tilespmem:s25+$0x160] =	vst v0  }
0x20: {  	[tilespmem:s25+$0x2960] =	vst v1  }
0x21: {  	[tilespmem:s25+$0x170] =	vst v0;
	s25 =	sshra.s32 s26, $0x2;
	s26 =	sadd.s32 $0x200, s26  }
0x22: {  	[tilespmem:s25+$0x2970] =	vst v1  }
0x23: {  	[tilespmem:s25+$0x100] =	vst v0  }
0x24: {  	[tilespmem:s25+$0x2900] =	vst v1  }
0x25: {  	[tilespmem:s25+$0x110] =	vst v0  }
0x26: {  	[tilespmem:s25+$0x2910] =	vst v1  }
0x27: {  	[tilespmem:s25+$0x120] =	vst v0  }
0x28: {  	[tilespmem:s25+$0x2920] =	vst v1  }
0x29: {  	[tilespmem:s25+$0x130] =	vst v0  }
0x2a: {  	[tilespmem:s25+$0x2930] =	vst v1  }
0x2b: {  	[tilespmem:s25+$0x140] =	vst v0  }
0x2c: {  	[tilespmem:s25+$0x2940] =	vst v1  }
0x2d: {  	[tilespmem:s25+$0x150] =	vst v0  }
0x2e: {  	[tilespmem:s25+$0x2950] =	vst v1  }
0x2f: {  	[tilespmem:s25+$0x160] =	vst v0  }
0x30: {  	[tilespmem:s25+$0x2960] =	vst v1  }
0x31: {  	[tilespmem:s25+$0x170] =	vst v0  }
0x32: {  	[spmem:s5] =	stream.linear.scatter [tilespmem:s18], [sflag:$0x2], $0x2800, $0x38;
	[tilespmem:$0x19100] =	vst v63  }
0x33: {  	_ =	swait.ge [sflag:s19], $0x2800  }
0x34: {  	[sflag:s19] =	ssyncset.done $0x0  }
0x35: {  	[sflag:s19] =	ssyncadd.s32 $0xFFFFD800  }
0x36: {  	[spmem:s6] =	stream.linear.scatter [tilespmem:s18], [sflag:$0x2], $0x2800, $0x38;
	[tilespmem:$0x19100] =	vst v63  }
0x37: {  	_ =	swait.ge [sflag:s19], $0x2800  }
0x38: {  	[sflag:s19] =	ssyncset.done $0x0  }
0x39: {  	[sflag:s19] =	ssyncadd.s32 $0xFFFFD800  }
0x3a: {  	[spmem:s7] =	stream.linear.scatter [tilespmem:s18], [sflag:$0x2], $0x2800, $0x38;
	[tilespmem:$0x19100] =	vst v63  }
0x3b: {  	_ =	swait.ge [sflag:s19], $0x2800  }
0x3c: {  	[sflag:s19] =	ssyncset.done $0x0  }
0x3d: {  	[sflag:s19] =	ssyncadd.s32 $0xFFFFD800  }
0x3e: {  	[spmem:s8] =	stream.linear.scatter [tilespmem:s18], [sflag:$0x2], $0x2800, $0x38;
	[tilespmem:$0x19100] =	vst v63  }
0x3f: {  	_ =	swait.ge [sflag:s19], $0x2800  }
0x40: {  	[sflag:s19] =	ssyncset.done $0x0  }
0x41: {  	[sflag:s19] =	ssyncadd.s32 $0xFFFFD800  }
0x42: {  	[spmem:s9] =	stream.linear.scatter [tilespmem:s18], [sflag:$0x2], $0x2800, $0x38;
	[tilespmem:$0x19100] =	vst v63  }
0x43: {  	_ =	swait.ge [sflag:s19], $0x2800  }
0x44: {  	[sflag:s19] =	ssyncset.done $0x0  }
0x45: {  	[sflag:s19] =	ssyncadd.s32 $0xFFFFD800  }
0x46: {  	[spmem:s10] =	stream.linear.scatter [tilespmem:s18], [sflag:$0x2], $0x2800, $0x38;
	[tilespmem:$0x19100] =	vst v63  }
0x47: {  	_ =	swait.ge [sflag:s19], $0x2800  }
0x48: {  	[sflag:s19] =	ssyncset.done $0x0  }
0x49: {  	[sflag:s19] =	ssyncadd.s32 $0xFFFFD800  }
0x4a: {  	[spmem:s11] =	stream.linear.scatter [tilespmem:s18], [sflag:$0x2], $0x2800, $0x38;
	[tilespmem:$0x19100] =	vst v63  }
0x4b: {  	_ =	swait.ge [sflag:s19], $0x2800  }
0x4c: {  	[sflag:s19] =	ssyncset.done $0x0  }
0x4d: {  	[sflag:s19] =	ssyncadd.s32 $0xFFFFD800  }
0x4e: {  	[spmem:s12] =	stream.linear.scatter [tilespmem:s18], [sflag:$0x2], $0x2800, $0x38;
	[tilespmem:$0x19100] =	vst v63  }
0x4f: {  	_ =	swait.ge [sflag:s19], $0x2800  }
0x50: {  	[sflag:s19] =	ssyncset.done $0x0  }
0x51: {  	[sflag:s19] =	ssyncadd.s32 $0xFFFFD800  }
0x52: {  	s30 =	sadd.s32 $0x0, s17;
	[bflag:$0x0] =	sbarrier.arrive $0xFFFF  }
0x53: {  	[tilespmem:s4], [sflag:$0x2] =	stream.linear.gather [hbm4b:s30+s4], $0x50, $0x38;
	[tilespmem:$0x19100] =	vst v63  }
0x54: {  	_ =	swait.ge [sflag:s19], $0x50  }
0x55: {  	[sflag:s19] =	ssyncset.done $0x0  }
0x56: {  	s31 =	sadd.s32 $0x0, s15;
	[sflag:s19] =	ssyncadd.s32 $0xFFFFFFB0  }
0x57: {  	[tilespmem:s20], [sflag:$0x2] =	stream.linear.gather [hbm4b:s31+s4], $0x50, $0x38;
	[tilespmem:$0x19100] =	vst v63  }
0x58: {  	_ =	swait.ge [sflag:s19], $0x50  }
0x59: {  	[sflag:s19] =	ssyncset.done $0x0  }
0x5a: {  	[sflag:s19] =	ssyncadd.s32 $0xFFFFFFB0  }
0x5b: {  	[tilespmem:s18], [sflag:$0x1] =	stream.indirect.gather [hbm4b:s0+s21], $0x80, s4, s21, $0xb8;
	[tilespmem:$0x19100] =	vst v63  }
0x5c: {  	_ =	swait.ge [sflag:s22], $0x2800  }
0x5d: {  	[sflag:s22] =	ssyncset.done $0x0  }
0x5e: {  	[sflag:s22] =	ssyncadd.s32 $0xFFFFD800  }
0x5f: {  	[spmem:s3] =	stream.indirect.scatter.add.f32 [tilespmem:s18], [sflag:$0x2], $0x80, s20, s21, $0xb8;
	[tilespmem:$0x19100] =	vst v63  }
0x60: {  	_ =	swait.ge [sflag:s19], $0x2800  }
0x61: {  	s25 =	simm.s32 $0x140;
	s26 =	simm.s32 $0x280;
	[sflag:s19] =	ssyncset.done $0x0  }
.LBB2_4:
0x62: {  	s28 =	sadd.s32 s25, s17  }
0x63: {  	[sflag:s19] =	ssyncadd.s32 $0xFFFFD800;
	s29 =	smov.u32 s26;
	s30 =	sadd.s32 $0x140, s26  }
0x64: {  	[tilespmem:s4], [sflag:$0x2] =	stream.linear.gather [hbm4b:s28+s4], $0x50, $0x38;
	[tilespmem:$0x19100] =	vst v63  }
0x65: {  	p0 =	sne.s32 s26, $0x9B00;
	_ =	swait.ge [sflag:s19], $0x50  }
0x66: {  	[sflag:s19] =	ssyncset.done $0x0  }
0x67: {  	s26 =	sadd.s32 s25, s15;
	s25 =	smov.u32 s29;
	[sflag:s19] =	ssyncadd.s32 $0xFFFFFFB0  }
0x68: {  	[tilespmem:s20], [sflag:$0x2] =	stream.linear.gather [hbm4b:s26+s4], $0x50, $0x38;
	[tilespmem:$0x19100] =	vst v63  }
0x69: {  	_ =	swait.ge [sflag:s19], $0x50  }
0x6a: {  	[sflag:s19] =	ssyncset.done $0x0  }
0x6b: {  	[sflag:s19] =	ssyncadd.s32 $0xFFFFFFB0  }
0x6c: {  	[tilespmem:s18], [sflag:$0x1] =	stream.indirect.gather [hbm4b:s0+s21], $0x80, s4, s21, $0xb8;
	[tilespmem:$0x19100] =	vst v63  }
0x6d: {  	_ =	swait.ge [sflag:s22], $0x2800  }
.Ltmp1:
0x6e: {  	[sflag:s22] =	ssyncset.done $0x0;
	(pc) =	sbr.rel @p0 .LBB2_4-.Ltmp1, $4  }
0x6f: {  	[sflag:s22] =	ssyncadd.s32 $0xFFFFD800  }
0x70: {  	[spmem:s3] =	stream.indirect.scatter.add.f32 [tilespmem:s18], [sflag:$0x2], $0x80, s20, s21, $0xb8;
	[tilespmem:$0x19100] =	vst v63  }
0x71: {  	_ =	swait.ge [sflag:s19], $0x2800  }
0x72: {  	s26 =	smov.u32 s30;
	[sflag:s19] =	ssyncset.done $0x0  }
0x73: {  	s26 =	sadd.s32 s25, s17;
	[sflag:s19] =	ssyncadd.s32 $0xFFFFD800  }
0x74: {  	[tilespmem:s4], [sflag:$0x2] =	stream.linear.gather [hbm4b:s26+s4], $0x50, $0x38;
	[tilespmem:$0x19100] =	vst v63  }
0x75: {  	_ =	swait.ge [sflag:s19], $0x50  }
0x76: {  	[sflag:s19] =	ssyncset.done $0x0  }
0x77: {  	s30 =	sadd.s32 s25, s15;
	[sflag:s19] =	ssyncadd.s32 $0xFFFFFFB0  }
0x78: {  	[tilespmem:s20], [sflag:$0x2] =	stream.linear.gather [hbm4b:s30+s4], $0x50, $0x38;
	[tilespmem:$0x19100] =	vst v63  }
0x79: {  	_ =	swait.ge [sflag:s19], $0x50  }
0x7a: {  	[sflag:s19] =	ssyncset.done $0x0  }
0x7b: {  	[sflag:s19] =	ssyncadd.s32 $0xFFFFFFB0  }
0x7c: {  	[tilespmem:s18], [sflag:$0x1] =	stream.indirect.gather [hbm4b:s0+s21], $0x80, s4, s21, $0xb8;
	[tilespmem:$0x19100] =	vst v63  }
0x7d: {  	_ =	swait.ge [sflag:s22], $0x2800  }
0x7e: {  	[sflag:s22] =	ssyncset.done $0x0  }
0x7f: {  	[sflag:s22] =	ssyncadd.s32 $0xFFFFD800  }
0x80: {  	[spmem:s3] =	stream.indirect.scatter.add.f32 [tilespmem:s18], [sflag:$0x2], $0x80, s20, s21, $0xb8;
	[tilespmem:$0x19100] =	vst v63  }
0x81: {  	_ =	swait.ge [sflag:s19], $0x2800  }
0x82: {  	[sflag:s19] =	ssyncset.done $0x0  }
0x83: {  	s31 =	sshll.u32 s2, $0x6;
	[sflag:s19] =	ssyncadd.s32 $0xFFFFD800  }
0x84: {  	s25 =	sor.u32 $0x1C02, s31;
	s26 =	sshrl.u32 s5, $0x3;
	[bflag:$0x0] =	sbarrier.arrive $0xFFFF  }
0x85: {  	[hbm:s13], [sflag:s25] =	dma.local [spmem:s26], $0x2800  }
0x86: {  	_ =	swait.ge [sflag:s19], $0x2800  }
0x87: {  	[sflag:s19] =	ssyncset.done $0x0  }
0x88: {  	[sflag:s19] =	ssyncadd.s32 $0xFFFFD800  }
0x89: {  	s28 =	simm.s32 $0x0;
	s29 =	simm.s32 $0x200;
	[bflag:$0x0] =	sbarrier.arrive $0xFFFF  }
.LBB2_6:
0x8a: {  	p0 =	sne.s32 s29, $0x9E00;
	[tilespmem:s28+$0x170] =	vst v0  }
0x8b: {  	[tilespmem:s28+$0x100] =	vst v0  }
0x8c: {  	[tilespmem:s28+$0x110] =	vst v0  }
.Ltmp2:
0x8d: {  	[tilespmem:s28+$0x120] =	vst v0;
	(pc) =	sbr.rel @p0 .LBB2_6-.Ltmp2, $4  }
0x8e: {  	[tilespmem:s28+$0x130] =	vst v0  }
0x8f: {  	[tilespmem:s28+$0x140] =	vst v0  }
0x90: {  	[tilespmem:s28+$0x150] =	vst v0  }
0x91: {  	[tilespmem:s28+$0x160] =	vst v0;
	s28 =	sshra.s32 s29, $0x2;
	s29 =	sadd.s32 $0x200, s29  }
0x92: {  	[tilespmem:s28+$0x170] =	vst v0  }
0x93: {  	[tilespmem:s28+$0x100] =	vst v0  }
0x94: {  	[tilespmem:s28+$0x110] =	vst v0  }
0x95: {  	[tilespmem:s28+$0x120] =	vst v0  }
0x96: {  	[tilespmem:s28+$0x130] =	vst v0  }
0x97: {  	[tilespmem:s28+$0x140] =	vst v0  }
0x98: {  	[tilespmem:s28+$0x150] =	vst v0  }
0x99: {  	[tilespmem:s28+$0x160] =	vst v0  }
0x9a: {  	[spmem:s5] =	stream.linear.scatter [tilespmem:s18], [sflag:$0x2], $0x2800, $0x38;
	[tilespmem:$0x19100] =	vst v63  }
0x9b: {  	_ =	swait.ge [sflag:s19], $0x2800  }
0x9c: {  	[sflag:s19] =	ssyncset.done $0x0  }
0x9d: {  	[sflag:s19] =	ssyncadd.s32 $0xFFFFD800  }
0x9e: {  	[spmem:s6] =	stream.linear.scatter [tilespmem:s18], [sflag:$0x2], $0x2800, $0x38;
	[tilespmem:$0x19100] =	vst v63  }
0x9f: {  	_ =	swait.ge [sflag:s19], $0x2800  }
0xa0: {  	[sflag:s19] =	ssyncset.done $0x0  }
0xa1: {  	[sflag:s19] =	ssyncadd.s32 $0xFFFFD800  }
0xa2: {  	[spmem:s7] =	stream.linear.scatter [tilespmem:s18], [sflag:$0x2], $0x2800, $0x38;
	[tilespmem:$0x19100] =	vst v63  }
0xa3: {  	_ =	swait.ge [sflag:s19], $0x2800  }
0xa4: {  	[sflag:s19] =	ssyncset.done $0x0  }
0xa5: {  	[sflag:s19] =	ssyncadd.s32 $0xFFFFD800  }
0xa6: {  	[spmem:s8] =	stream.linear.scatter [tilespmem:s18], [sflag:$0x2], $0x2800, $0x38;
	[tilespmem:$0x19100] =	vst v63  }
0xa7: {  	_ =	swait.ge [sflag:s19], $0x2800  }
0xa8: {  	[sflag:s19] =	ssyncset.done $0x0  }
0xa9: {  	[sflag:s19] =	ssyncadd.s32 $0xFFFFD800  }
0xaa: {  	[spmem:s9] =	stream.linear.scatter [tilespmem:s18], [sflag:$0x2], $0x2800, $0x38;
	[tilespmem:$0x19100] =	vst v63  }
0xab: {  	_ =	swait.ge [sflag:s19], $0x2800  }
0xac: {  	[sflag:s19] =	ssyncset.done $0x0  }
0xad: {  	[sflag:s19] =	ssyncadd.s32 $0xFFFFD800  }
0xae: {  	[spmem:s10] =	stream.linear.scatter [tilespmem:s18], [sflag:$0x2], $0x2800, $0x38;
	[tilespmem:$0x19100] =	vst v63  }
0xaf: {  	_ =	swait.ge [sflag:s19], $0x2800  }
0xb0: {  	[sflag:s19] =	ssyncset.done $0x0  }
0xb1: {  	[sflag:s19] =	ssyncadd.s32 $0xFFFFD800  }
0xb2: {  	[spmem:s11] =	stream.linear.scatter [tilespmem:s18], [sflag:$0x2], $0x2800, $0x38;
	[tilespmem:$0x19100] =	vst v63  }
0xb3: {  	_ =	swait.ge [sflag:s19], $0x2800  }
0xb4: {  	[sflag:s19] =	ssyncset.done $0x0  }
0xb5: {  	[sflag:s19] =	ssyncadd.s32 $0xFFFFD800  }
0xb6: {  	[spmem:s12] =	stream.linear.scatter [tilespmem:s18], [sflag:$0x2], $0x2800, $0x38;
	[tilespmem:$0x19100] =	vst v63  }
0xb7: {  	_ =	swait.ge [sflag:s19], $0x2800  }
0xb8: {  	[sflag:s19] =	ssyncset.done $0x0  }
0xb9: {  	[sflag:s19] =	ssyncadd.s32 $0xFFFFD800  }
0xba: {  	s28 =	sadd.s32 $0x0, s15;
	[bflag:$0x0] =	sbarrier.arrive $0xFFFF  }
0xbb: {  	[tilespmem:s20], [sflag:$0x2] =	stream.linear.gather [hbm4b:s28+s4], $0x50, $0x38;
	[tilespmem:$0x19100] =	vst v63  }
0xbc: {  	_ =	swait.ge [sflag:s19], $0x50  }
0xbd: {  	[sflag:s19] =	ssyncset.done $0x0  }
0xbe: {  	[sflag:s19] =	ssyncadd.s32 $0xFFFFFFB0  }
0xbf: {  	[spmem:s3] =	stream.indirect.scatter.add.f32 [tilespmem:s23], [sflag:$0x2], $0x80, s20, s21, $0xb8;
	[tilespmem:$0x19100] =	vst v63  }
0xc0: {  	_ =	swait.ge [sflag:s19], $0x2800  }
0xc1: {  	s29 =	simm.s32 $0x280;
	s28 =	simm.s32 $0x140;
	[sflag:s19] =	ssyncset.done $0x0  }
.LBB2_8:
0xc2: {  	s30 =	sadd.s32 s28, s15  }
0xc3: {  	[sflag:s19] =	ssyncadd.s32 $0xFFFFD800;
	s28 =	smov.u32 s29;
	s31 =	sadd.s32 $0x140, s29  }
0xc4: {  	[tilespmem:s20], [sflag:$0x2] =	stream.linear.gather [hbm4b:s30+s4], $0x50, $0x38;
	[tilespmem:$0x19100] =	vst v63  }
0xc5: {  	p0 =	sne.s32 s29, $0x9B00;
	_ =	swait.ge [sflag:s19], $0x50  }
.Ltmp3:
0xc6: {  	[sflag:s19] =	ssyncset.done $0x0;
	(pc) =	sbr.rel @p0 .LBB2_8-.Ltmp3, $4  }
0xc7: {  	[sflag:s19] =	ssyncadd.s32 $0xFFFFFFB0  }
0xc8: {  	[spmem:s3] =	stream.indirect.scatter.add.f32 [tilespmem:s23], [sflag:$0x2], $0x80, s20, s21, $0xb8;
	[tilespmem:$0x19100] =	vst v63  }
0xc9: {  	_ =	swait.ge [sflag:s19], $0x2800  }
0xca: {  	s29 =	smov.u32 s31;
	[sflag:s19] =	ssyncset.done $0x0  }
0xcb: {  	s28 =	sadd.s32 s28, s15;
	[sflag:s19] =	ssyncadd.s32 $0xFFFFD800  }
0xcc: {  	[tilespmem:s20], [sflag:$0x2] =	stream.linear.gather [hbm4b:s28+s4], $0x50, $0x38;
	[tilespmem:$0x19100] =	vst v63  }
0xcd: {  	_ =	swait.ge [sflag:s19], $0x50  }
0xce: {  	[sflag:s19] =	ssyncset.done $0x0  }
0xcf: {  	[sflag:s19] =	ssyncadd.s32 $0xFFFFFFB0  }
0xd0: {  	[spmem:s3] =	stream.indirect.scatter.add.f32 [tilespmem:s23], [sflag:$0x2], $0x80, s20, s21, $0xb8;
	[tilespmem:$0x19100] =	vst v63  }
0xd1: {  	_ =	swait.ge [sflag:s19], $0x2800  }
0xd2: {  	s24 =	sadd.s32 $0x1, s24;
	[sflag:s19] =	ssyncset.done $0x0  }
0xd3: {  	p0 =	sne.s32 s24, s16;
	[sflag:s19] =	ssyncadd.s32 $0xFFFFD800  }
.Ltmp4:
0xd4: {  	[bflag:$0x0] =	sbarrier.arrive $0xFFFF;
	(pc) =	sbr.rel @p0 .LBB2_1-.Ltmp4, $4  }
0xd5: {  	[hbm:s14], [sflag:s25] =	dma.local [spmem:s26], $0x2800  }
0xd6: {  	_ =	swait.ge [sflag:s19], $0x2800  }
0xd7: {  	[sflag:s19] =	ssyncset.done $0x0  }
0xd8: {  	[sflag:s19] =	ssyncadd.s32 $0xFFFFD800  }
0xd9: {  	_ =	sfence.sel $0x180000  }
0xda: {  	[bflag:$0x0] =	sbarrier.arrive $0xFFFF  }
0xdb: {  	p0 =	sne.s32 s2, $0x0;
	_ =	strace $0x90000047  }
0xdc: {  	s0 =	sadd.s32 @!p0 $0x100000, s1;
	[bflag:$0x2] =	sbarrier.arrive $0xFFFF  }
0xdd: {  	[sflag:s0] =	ssyncadd.tile.s32 @!p0 $0x1;
	_ =	shalt  }
.Lfunc_end2:
_tile_overlayer_lowered:
.L_overlay_start_2:
0xde: {  	(tag) =	ssettag $0x2  }
0xdf: {  	s0 =	rddreg [dreg:$0x0];
	s2 =	stileid.u32  }
0xe0: {  	s1 =	rddreg [dreg:$0x1];
	p0 =	sne.s32 s2, $0x0  }
0xe1: {  	s3 =	rddreg [dreg:$0x2];
	[bflag:$0x3] =	sbarrier.arrive $0xFFFF;
	s2 =	simm.s32 @!p0 $0x1C02  }
0xe2: {  	[timem:s3], [sflag:s2] =	dma.local @!p0 [hbm:s0], s1  }
0xe3: {  	s0 =	simm.s32 @!p0 $0x2  }
0xe4: {  	_ =	swait.ge @!p0 [sflag:s0], s1  }
0xe5: {  	s1 =	ssub.s32 @!p0 $0x0, s1;
	[sflag:s0] =	ssyncset.done @!p0 $0x0  }
0xe6: {  	[sflag:s0] =	ssyncadd.s32 @!p0 s1  }
0xe7: {  	[bflag:$0x3] =	sbarrier.arrive $0xFFFF  }
0xe8: {  	_ =	shalt  }

</sc_bundles>
